<compile_context>
chip_gen: v7x
topology: tpu7x:2x2x1
jax: 0.10.2.dev20260603
libtpu: 0.0.44.dev20260713+nightly
codegen_flags: <defaults>
</compile_context>

<pallas_src>
import jax
import jax.numpy as jnp
from jax import lax
from jax.experimental import pallas as pl
from jax.experimental.pallas import tpu as pltpu
from jax.experimental.pallas import tpu_sc as plsc

N_NODES = 10000
N_EDGES = 320000
D_FEAT = 128
EMBED_DIM = 64

NC = 2
NS = 16
E_PER_T = N_EDGES // NS
K = 80
NCHUNK = E_PER_T // K
CH_PER_GRP = 10
NGRP = NCHUNK // CH_PER_GRP
N_PAD = 10240
ROWS_PER_TILE = N_PAD // NS

B_PAD = 10240
B_PER_T = B_PAD // NS
GCH = 160
NGCH = B_PER_T // GCH


def _proj_body(x_ref, noise_ref, w_ref, f_ref):
    w_t = w_ref[...].T
    p = jnp.dot(x_ref[...], w_t, preferred_element_type=jnp.float32)
    q = jnp.dot(noise_ref[...], w_t, preferred_element_type=jnp.float32)
    f_ref[:N_NODES, :EMBED_DIM] = p.astype(jnp.bfloat16)
    f_ref[:N_NODES, EMBED_DIM:] = (p + q).astype(jnp.bfloat16)


def _project(x, noise, w):
    return pl.pallas_call(
        _proj_body,
        out_shape=jax.ShapeDtypeStruct((N_PAD, D_FEAT), jnp.bfloat16),
    )(x, noise, w)


def _mega_body(f_hbm, src_hbm, dst_hbm, nodes_hbm, zrows_hbm, zdeg_hbm,
               ones_hbm, g_hbm, dg_hbm,
               f_shr, acc_shr, deg_shr,
               srcv, dstv, rows0, rows1, onesv, grows, gdeg, idxv,
               gs0, gs1, ss0, ss1, ds0):
    c = lax.axis_index("c")
    s = lax.axis_index("s")
    slab = pl.ds(s * ROWS_PER_TILE, ROWS_PER_TILE)
    col = pl.ds(c * EMBED_DIM, EMBED_DIM)

    pltpu.sync_copy(f_hbm.at[slab, col], f_shr.at[slab])
    pltpu.sync_copy(zrows_hbm.at[:, pl.ds(0, EMBED_DIM)], acc_shr.at[slab])
    pltpu.sync_copy(zdeg_hbm, deg_shr.at[slab])
    pltpu.sync_copy(ones_hbm, onesv)
    plsc.subcore_barrier()

    grp_edges = CH_PER_GRP * K

    def grp_step(gr, carry):
        ebase = s * E_PER_T + gr * grp_edges
        pltpu.sync_copy(src_hbm.at[pl.ds(ebase, grp_edges)], srcv)
        pltpu.sync_copy(dst_hbm.at[pl.ds(ebase, grp_edges)], dstv)

        pltpu.async_copy(f_shr.at[srcv.at[pl.ds(0, K)]], rows0, gs0)

        def pair_step(p, carry1):
            j0 = 2 * p
            i0, i1, i2 = pl.ds(j0 * K, K), pl.ds((j0 + 1) * K, K), pl.ds((j0 + 2) * K, K)
            pltpu.make_async_copy(f_shr.at[srcv.at[i0]], rows0, gs0).wait()
            pltpu.async_copy(f_shr.at[srcv.at[i1]], rows1, gs1)
            s0 = pltpu.async_copy(rows0, acc_shr.at[dstv.at[i0]], ss0,
                                  add=True)
            pltpu.sync_copy(onesv, deg_shr.at[dstv.at[i0]], add=True)
            pltpu.make_async_copy(f_shr.at[srcv.at[i1]], rows1, gs1).wait()
            s0.wait()

            @pl.when(j0 + 2 < CH_PER_GRP)
            def _():
                pltpu.async_copy(f_shr.at[srcv.at[i2]], rows0, gs0)

            s1 = pltpu.async_copy(rows1, acc_shr.at[dstv.at[i1]], ss1,
                                  add=True)
            pltpu.sync_copy(onesv, deg_shr.at[dstv.at[i1]], add=True)
            s1.wait()
            return carry1

        lax.fori_loop(0, CH_PER_GRP // 2, pair_step, 0)
        return carry

    lax.fori_loop(0, NGRP, grp_step, 0)

    plsc.subcore_barrier()

    base = s * B_PER_T
    pltpu.sync_copy(nodes_hbm.at[pl.ds(base, B_PER_T)], idxv)

    def gch_step(q, carry):
        sub = pl.ds(q * GCH, GCH)
        pltpu.async_copy(acc_shr.at[idxv.at[sub]], grows, ds0).wait()
        pltpu.sync_copy(grows, g_hbm.at[pl.ds(base + q * GCH, GCH), col])
        return carry

    lax.fori_loop(0, NGCH, gch_step, 0)

    @pl.when(c == 0)
    def _():
        pltpu.async_copy(deg_shr.at[idxv], gdeg, ds0).wait()
        pltpu.sync_copy(gdeg, dg_hbm.at[pl.ds(base, B_PER_T)])


def _mega(f, src1d, dst1d, nodes_pad, zrows, zdeg, ones8):
    mesh = plsc.VectorSubcoreMesh(core_axis_name="c", subcore_axis_name="s")
    k = pl.kernel(
        _mega_body,
        out_type=(
            jax.ShapeDtypeStruct((B_PAD, D_FEAT), jnp.bfloat16),
            jax.ShapeDtypeStruct((B_PAD, 8), jnp.bfloat16),
        ),
        mesh=mesh,
        scratch_types=[
            pltpu.MemorySpace.VMEM_SHARED((N_PAD, EMBED_DIM), jnp.bfloat16),
            pltpu.MemorySpace.VMEM_SHARED((N_PAD, EMBED_DIM), jnp.bfloat16),
            pltpu.MemorySpace.VMEM_SHARED((N_PAD, 8), jnp.bfloat16),
            pltpu.VMEM((CH_PER_GRP * K,), jnp.int32),
            pltpu.VMEM((CH_PER_GRP * K,), jnp.int32),
            pltpu.VMEM((K, EMBED_DIM), jnp.bfloat16),
            pltpu.VMEM((K, EMBED_DIM), jnp.bfloat16),
            pltpu.VMEM((K, 8), jnp.bfloat16),
            pltpu.VMEM((GCH, EMBED_DIM), jnp.bfloat16),
            pltpu.VMEM((B_PER_T, 8), jnp.bfloat16),
            pltpu.VMEM((B_PER_T,), jnp.int32),
            pltpu.SemaphoreType.DMA,
            pltpu.SemaphoreType.DMA,
            pltpu.SemaphoreType.DMA,
            pltpu.SemaphoreType.DMA,
            pltpu.SemaphoreType.DMA,
        ],
        compiler_params=pltpu.CompilerParams(needs_layout_passes=False,
                                             use_tc_tiling_on_sc=False),
    )
    return k(f, src1d, dst1d, nodes_pad, zrows, zdeg, ones8)


MLP_BLK = 2000


def _mlp_body(g_ref, dg_ref, w1_ref, b1_ref, w2_ref, b2_ref, out_ref):
    d = jnp.maximum(dg_ref[...][:, 0].astype(jnp.float32), 1.0)[:, None]
    w1t = w1_ref[...].T
    lane = jax.lax.broadcasted_iota(jnp.int32, (EMBED_DIM, D_FEAT), 1)
    w2b = jnp.where(lane == 0, w2_ref[...].T, 0.0)
    for i, sl in enumerate((slice(None, EMBED_DIM), slice(EMBED_DIM, None))):
        z = jnp.maximum(g_ref[...][:, sl].astype(jnp.float32), 0.0) / d
        h = jax.nn.sigmoid(jnp.dot(z, w1t, preferred_element_type=jnp.float32)
                           + b1_ref[...][None, :])
        y = jnp.dot(h, w2b, preferred_element_type=jnp.float32)
        out_ref[:, i] = jax.nn.sigmoid(y[:, 0] + b2_ref[0])


def _mlp(g, dg, w1, b1, w2, b2):
    return pl.pallas_call(
        _mlp_body,
        grid=(N_NODES // MLP_BLK,),
        in_specs=[
            pl.BlockSpec((MLP_BLK, D_FEAT), lambda i: (i, 0)),
            pl.BlockSpec((MLP_BLK, 8), lambda i: (i, 0)),
            pl.BlockSpec((EMBED_DIM, EMBED_DIM), lambda i: (0, 0)),
            pl.BlockSpec((EMBED_DIM,), lambda i: (0,)),
            pl.BlockSpec((1, EMBED_DIM), lambda i: (0, 0)),
            pl.BlockSpec((1,), lambda i: (0,)),
        ],
        out_specs=pl.BlockSpec((MLP_BLK, 2), lambda i: (i, 0)),
        out_shape=jax.ShapeDtypeStruct((N_NODES, 2), jnp.float32),
    )(g, dg, w1, b1, w2, b2)


def kernel(x, noise, W, d2w1, d2b1, d2w2, d2b2, nodes, edge_index):
    src1d = edge_index[0].astype(jnp.int32)
    dst1d = edge_index[1].astype(jnp.int32)
    nodes_pad = jnp.zeros((B_PAD,), jnp.int32).at[:N_NODES].set(
        nodes.astype(jnp.int32))
    zrows = jnp.zeros((ROWS_PER_TILE, D_FEAT), jnp.bfloat16)
    zdeg = jnp.zeros((ROWS_PER_TILE, 8), jnp.bfloat16)
    ones8 = jnp.ones((K, 8), jnp.bfloat16)

    f = _project(x, noise, W)
    g, dg = _mega(f, src1d, dst1d, nodes_pad, zrows, zdeg, ones8)
    out2 = _mlp(g, dg, d2w1, d2b1, d2w2, d2b2)

    logits_all = out2.T.reshape(2 * N_NODES, 1)
    logits_gen = out2[:, 1].reshape(N_NODES, 1)
    label = jnp.concatenate([jnp.zeros((N_NODES,), jnp.float32),
                             jnp.ones((N_NODES,), jnp.float32)])
    return (logits_all, logits_gen, label)

# --- scband reference (transcript-rebuilt; emitter-appended) ---
"""Pipeline reference for scband-gcnencoder-386547056911 (READ-ONLY COPY).

The authoritative reference and input builder live on the scoring server;
editing this copy changes nothing except your own understanding.
"""

import jax, jax.numpy as jnp
import numpy as np

N_NODES = 10000
N_EDGES = 320000
D_FEAT = 128
EMBED_DIM = 64
HID_DIM = 64


def setup_inputs(seed: int = 0) -> dict:
    key = jax.random.key(seed)
    ks = jax.random.split(key, 9)
    x = jax.random.normal(ks[0], (N_NODES, D_FEAT), dtype=jnp.float32)
    noise = jax.random.normal(ks[1], (N_NODES, D_FEAT), dtype=jnp.float32)
    edge_index = jax.random.randint(ks[2], (2, N_EDGES), 0, N_NODES, dtype=jnp.int64)
    nodes = jax.random.randint(ks[3], (N_NODES,), 0, N_NODES, dtype=jnp.int64)
    # learned params (xavier-ish scaling)
    W = jax.random.normal(ks[4], (EMBED_DIM, D_FEAT), dtype=jnp.float32) * np.sqrt(2.0 / (EMBED_DIM + D_FEAT))
    d2w1 = jax.random.normal(ks[5], (HID_DIM, EMBED_DIM), dtype=jnp.float32) * np.sqrt(2.0 / (HID_DIM + EMBED_DIM))
    d2b1 = jnp.zeros((HID_DIM,), dtype=jnp.float32)
    d2w2 = jax.random.normal(ks[6], (1, HID_DIM), dtype=jnp.float32) * np.sqrt(2.0 / (1 + HID_DIM))
    d2b2 = jnp.zeros((1,), dtype=jnp.float32)
    return {"x": x, "noise": noise, "W": W, "d2w1": d2w1, "d2b1": d2b1,
            "d2w2": d2w2, "d2b2": d2b2, "nodes": nodes, "edge_index": edge_index}


def _mean_aggregate(feats, edge_index, n_nodes):
    src = edge_index[0]
    dst = edge_index[1]
    deg = jax.ops.segment_sum(jnp.ones((edge_index.shape[1],), dtype=feats.dtype), dst, num_segments=n_nodes)
    deg = jnp.clip(deg, 1.0, None)
    summed = jax.ops.segment_sum(jnp.take(feats, src, axis=0), dst, num_segments=n_nodes)
    return summed / deg[:, None]


def _mlp2(z, w1, b1, w2, b2):
    # 2-layer MLP with sigmoid activation (discriminator2)
    h = jax.nn.sigmoid(z @ w1.T + b1)
    return h @ w2.T + b2


def reference(x, noise, W, d2w1, d2b1, d2w2, d2b2, nodes, edge_index):
    n_nodes = x.shape[0]
    # aggregator: mean over neighbors; noise branch aggregates perturbed features
    agg = _mean_aggregate(x, edge_index, n_nodes)
    agg_noise = _mean_aggregate(x + noise, edge_index, n_nodes)
    neigh_feats = jnp.take(agg, nodes, axis=0)        # [B, d_feat]
    to_noise_feats = jnp.take(agg_noise, nodes, axis=0)
    combined = jax.nn.relu(W @ neigh_feats.T)         # [embed_dim, B]
    combined_noise = jax.nn.relu(W @ to_noise_feats.T)
    emb_all = jnp.concatenate([combined, combined_noise], axis=1)  # [embed_dim, 2B]
    B = combined.shape[1]
    label = jnp.concatenate([jnp.zeros((B,), dtype=jnp.float32), jnp.ones((B,), dtype=jnp.float32)])
    logits_all = jax.nn.sigmoid(_mlp2(emb_all.T, d2w1, d2b1, d2w2, d2b2))      # [2B, 1]
    logits_gen = jax.nn.sigmoid(_mlp2(combined_noise.T, d2w1, d2b1, d2w2, d2b2))  # [B, 1]
    return (logits_all, logits_gen, label)

if __name__ == "__main__":
    import jax
    _d = setup_inputs()
    print(jax.jit(kernel)(*tuple(_d.values())))

</pallas_src>

<mosaic_0001>
#map = affine_map<(d0, d1) -> (0, 0)>
#map1 = affine_map<(d0, d1) -> (0)>
module attributes {stable_mosaic.version = 14 : i64} {
  func.func @_mega_body(%arg0: i32, %arg1: i32, %arg2: memref<10240x128xbf16, #tpu.memory_space<hbm>>, %arg3: memref<320000xi32, #tpu.memory_space<hbm>>, %arg4: memref<320000xi32, #tpu.memory_space<hbm>>, %arg5: memref<10240xi32, #tpu.memory_space<hbm>>, %arg6: memref<640x128xbf16, #tpu.memory_space<hbm>>, %arg7: memref<640x8xbf16, #tpu.memory_space<hbm>>, %arg8: memref<80x8xbf16, #tpu.memory_space<hbm>>, %arg9: memref<10240x128xbf16, #tpu.memory_space<hbm>>, %arg10: memref<10240x8xbf16, #tpu.memory_space<hbm>>, %arg11: memref<10240x64xbf16, #tpu.memory_space<vmem_shared>>, %arg12: memref<10240x64xbf16, #tpu.memory_space<vmem_shared>>, %arg13: memref<10240x8xbf16, #tpu.memory_space<vmem_shared>>, %arg14: memref<800xi32, #tpu.memory_space<vmem>>, %arg15: memref<800xi32, #tpu.memory_space<vmem>>, %arg16: memref<80x64xbf16, #tpu.memory_space<vmem>>, %arg17: memref<80x64xbf16, #tpu.memory_space<vmem>>, %arg18: memref<80x8xbf16, #tpu.memory_space<vmem>>, %arg19: memref<160x64xbf16, #tpu.memory_space<vmem>>, %arg20: memref<640x8xbf16, #tpu.memory_space<vmem>>, %arg21: memref<640xi32, #tpu.memory_space<vmem>>, %arg22: memref<!tpu.dma_semaphore, #tpu.memory_space<semaphore_mem>>, %arg23: memref<!tpu.dma_semaphore, #tpu.memory_space<semaphore_mem>>, %arg24: memref<!tpu.dma_semaphore, #tpu.memory_space<semaphore_mem>>, %arg25: memref<!tpu.dma_semaphore, #tpu.memory_space<semaphore_mem>>, %arg26: memref<!tpu.dma_semaphore, #tpu.memory_space<semaphore_mem>>) attributes {dimension_semantics = [#tpu.dimension_semantics<core_parallel>, #tpu.dimension_semantics<subcore_parallel>], iteration_bounds = array<i64: 2, 16>, scalar_prefetch = 0 : i64, scratch_operands = 16 : i64, tpu.core_type = #tpu.core_type<sc_vector_subcore>, window_params = [{transform_indices = #map}, {transform_indices = #map1}, {transform_indices = #map1}, {transform_indices = #map1}, {transform_indices = #map}, {transform_indices = #map}, {transform_indices = #map}, {transform_indices = #map}, {transform_indices = #map}]} {
    %mul3A = arith.constant 640 : i32
    %mul3A_0 = arith.muli %arg1, %mul3A : i32
    %mul3A_1 = arith.constant 64 : i32
    %mul3A_2 = arith.muli %arg0, %mul3A_1 : i32
    "tpu.region"() ({
      %run_scoped3A = tpu.sem_alloc : memref<!tpu.dma_semaphore, #tpu.memory_space<semaphore_mem>>
      %dma_start3A = arith.constant 0 : i32
      %dma_start3A_19 = tpu.memref_slice %arg11[%mul3A_0, %dma_start3A] : memref<10240x64xbf16, #tpu.memory_space<vmem_shared>> -> memref<640x64xbf16, #tpu.memory_space<vmem_shared>>
      %dma_start3A_20 = tpu.memref_slice %arg2[%mul3A_0, %mul3A_2] : memref<10240x128xbf16, #tpu.memory_space<hbm>> -> memref<640x64xbf16, #tpu.memory_space<hbm>>
      tpu.enqueue_dma source(%dma_start3A_20 : memref<640x64xbf16, #tpu.memory_space<hbm>>) target(%dma_start3A_19 : memref<640x64xbf16, #tpu.memory_space<vmem_shared>>) target_semaphore(%run_scoped3A : memref<!tpu.dma_semaphore, #tpu.memory_space<semaphore_mem>>)
      %dma_wait3A = arith.constant 0 : i32
      %dma_wait3A_21 = tpu.memref_slice %arg11[%mul3A_0, %dma_wait3A] : memref<10240x64xbf16, #tpu.memory_space<vmem_shared>> -> memref<640x64xbf16, #tpu.memory_space<vmem_shared>>
      %dma_wait3A_22 = tpu.memref_slice %arg2[%mul3A_0, %mul3A_2] : memref<10240x128xbf16, #tpu.memory_space<hbm>> -> memref<640x64xbf16, #tpu.memory_space<hbm>>
      tpu.wait_dma2 semaphore(%run_scoped3A : memref<!tpu.dma_semaphore, #tpu.memory_space<semaphore_mem>>) src(%dma_wait3A_22 : memref<640x64xbf16, #tpu.memory_space<hbm>>) dst(%dma_wait3A_21 : memref<640x64xbf16, #tpu.memory_space<vmem_shared>>)
      tpu.yield
    }) : () -> ()
    "tpu.region"() ({
      %run_scoped3A = tpu.sem_alloc : memref<!tpu.dma_semaphore, #tpu.memory_space<semaphore_mem>>
      %dma_start3A = arith.constant 0 : i32
      %dma_start3A_19 = tpu.memref_slice %arg12[%mul3A_0, %dma_start3A] : memref<10240x64xbf16, #tpu.memory_space<vmem_shared>> -> memref<640x64xbf16, #tpu.memory_space<vmem_shared>>
      %dma_start3A_20 = arith.constant 0 : i32
      %dma_start3A_21 = arith.constant 0 : i32
      %dma_start3A_22 = tpu.memref_slice %arg6[%dma_start3A_20, %dma_start3A_21] : memref<640x128xbf16, #tpu.memory_space<hbm>> -> memref<640x64xbf16, #tpu.memory_space<hbm>>
      tpu.enqueue_dma source(%dma_start3A_22 : memref<640x64xbf16, #tpu.memory_space<hbm>>) target(%dma_start3A_19 : memref<640x64xbf16, #tpu.memory_space<vmem_shared>>) target_semaphore(%run_scoped3A : memref<!tpu.dma_semaphore, #tpu.memory_space<semaphore_mem>>)
      %dma_wait3A = arith.constant 0 : i32
      %dma_wait3A_23 = tpu.memref_slice %arg12[%mul3A_0, %dma_wait3A] : memref<10240x64xbf16, #tpu.memory_space<vmem_shared>> -> memref<640x64xbf16, #tpu.memory_space<vmem_shared>>
      %dma_wait3A_24 = arith.constant 0 : i32
      %dma_wait3A_25 = arith.constant 0 : i32
      %dma_wait3A_26 = tpu.memref_slice %arg6[%dma_wait3A_24, %dma_wait3A_25] : memref<640x128xbf16, #tpu.memory_space<hbm>> -> memref<640x64xbf16, #tpu.memory_space<hbm>>
      tpu.wait_dma2 semaphore(%run_scoped3A : memref<!tpu.dma_semaphore, #tpu.memory_space<semaphore_mem>>) src(%dma_wait3A_26 : memref<640x64xbf16, #tpu.memory_space<hbm>>) dst(%dma_wait3A_23 : memref<640x64xbf16, #tpu.memory_space<vmem_shared>>)
      tpu.yield
    }) : () -> ()
    "tpu.region"() ({
      %run_scoped3A = tpu.sem_alloc : memref<!tpu.dma_semaphore, #tpu.memory_space<semaphore_mem>>
      %dma_start3A = arith.constant 0 : i32
      %dma_start3A_19 = tpu.memref_slice %arg13[%mul3A_0, %dma_start3A] : memref<10240x8xbf16, #tpu.memory_space<vmem_shared>> -> memref<640x8xbf16, #tpu.memory_space<vmem_shared>>
      tpu.enqueue_dma source(%arg7 : memref<640x8xbf16, #tpu.memory_space<hbm>>) target(%dma_start3A_19 : memref<640x8xbf16, #tpu.memory_space<vmem_shared>>) target_semaphore(%run_scoped3A : memref<!tpu.dma_semaphore, #tpu.memory_space<semaphore_mem>>)
      %dma_wait3A = arith.constant 0 : i32
      %dma_wait3A_20 = tpu.memref_slice %arg13[%mul3A_0, %dma_wait3A] : memref<10240x8xbf16, #tpu.memory_space<vmem_shared>> -> memref<640x8xbf16, #tpu.memory_space<vmem_shared>>
      tpu.wait_dma2 semaphore(%run_scoped3A : memref<!tpu.dma_semaphore, #tpu.memory_space<semaphore_mem>>) src(%arg7 : memref<640x8xbf16, #tpu.memory_space<hbm>>) dst(%dma_wait3A_20 : memref<640x8xbf16, #tpu.memory_space<vmem_shared>>)
      tpu.yield
    }) : () -> ()
    "tpu.region"() ({
      %run_scoped3A = tpu.sem_alloc : memref<!tpu.dma_semaphore, #tpu.memory_space<semaphore_mem>>
      tpu.enqueue_dma source(%arg8 : memref<80x8xbf16, #tpu.memory_space<hbm>>) target(%arg18 : memref<80x8xbf16, #tpu.memory_space<vmem>>) target_semaphore(%run_scoped3A : memref<!tpu.dma_semaphore, #tpu.memory_space<semaphore_mem>>)
      tpu.wait_dma2 semaphore(%run_scoped3A : memref<!tpu.dma_semaphore, #tpu.memory_space<semaphore_mem>>) src(%arg8 : memref<80x8xbf16, #tpu.memory_space<hbm>>) dst(%arg18 : memref<80x8xbf16, #tpu.memory_space<vmem>>)
      tpu.yield
    }) : () -> ()
    %barrier3A = arith.constant 0 : index
    tpu.barrier barrier_id(%barrier3A)
    %scan3A = arith.constant 0 : i32
    %scan3A_3 = arith.constant 0 : i32
    %scan3A_4 = arith.constant 25 : i32
    %scan3A_5 = arith.addi %scan3A_3, %scan3A_4 : i32
    %scan3A_6 = arith.constant 1 : i32
    scf.for %scan3A_19 = %scan3A_3 to %scan3A_5 step %scan3A_6  : i32 {
      %mul3A_20 = arith.constant 20000 : i32
      %mul3A_21 = arith.muli %arg1, %mul3A_20 : i32
      %mul3A_22 = arith.constant 800 : i32
      %mul3A_23 = arith.muli %scan3A_19, %mul3A_22 : i32
      %add3A = arith.addi %mul3A_21, %mul3A_23 : i32
      "tpu.region"() ({
        %run_scoped3A = tpu.sem_alloc : memref<!tpu.dma_semaphore, #tpu.memory_space<semaphore_mem>>
        %dma_start3A_34 = tpu.memref_slice %arg3[%add3A] : memref<320000xi32, #tpu.memory_space<hbm>> -> memref<800xi32, #tpu.memory_space<hbm>>
        %dma_start3A_35 = tpu.memref_slice %arg3[%add3A] : memref<320000xi32, #tpu.memory_space<hbm>> -> memref<800xi32, #tpu.memory_space<hbm>>
        tpu.enqueue_dma source(%dma_start3A_35 : memref<800xi32, #tpu.memory_space<hbm>>) target(%arg14 : memref<800xi32, #tpu.memory_space<vmem>>) target_semaphore(%run_scoped3A : memref<!tpu.dma_semaphore, #tpu.memory_space<semaphore_mem>>)
        %dma_wait3A = tpu.memref_slice %arg3[%add3A] : memref<320000xi32, #tpu.memory_space<hbm>> -> memref<800xi32, #tpu.memory_space<hbm>>
        %dma_wait3A_36 = tpu.memref_slice %arg3[%add3A] : memref<320000xi32, #tpu.memory_space<hbm>> -> memref<800xi32, #tpu.memory_space<hbm>>
        tpu.wait_dma2 semaphore(%run_scoped3A : memref<!tpu.dma_semaphore, #tpu.memory_space<semaphore_mem>>) src(%dma_wait3A_36 : memref<800xi32, #tpu.memory_space<hbm>>) dst(%arg14 : memref<800xi32, #tpu.memory_space<vmem>>)
        tpu.yield
      }) : () -> ()
      "tpu.region"() ({
        %run_scoped3A = tpu.sem_alloc : memref<!tpu.dma_semaphore, #tpu.memory_space<semaphore_mem>>
        %dma_start3A_34 = tpu.memref_slice %arg4[%add3A] : memref<320000xi32, #tpu.memory_space<hbm>> -> memref<800xi32, #tpu.memory_space<hbm>>
        %dma_start3A_35 = tpu.memref_slice %arg4[%add3A] : memref<320000xi32, #tpu.memory_space<hbm>> -> memref<800xi32, #tpu.memory_space<hbm>>
        tpu.enqueue_dma source(%dma_start3A_35 : memref<800xi32, #tpu.memory_space<hbm>>) target(%arg15 : memref<800xi32, #tpu.memory_space<vmem>>) target_semaphore(%run_scoped3A : memref<!tpu.dma_semaphore, #tpu.memory_space<semaphore_mem>>)
        %dma_wait3A = tpu.memref_slice %arg4[%add3A] : memref<320000xi32, #tpu.memory_space<hbm>> -> memref<800xi32, #tpu.memory_space<hbm>>
        %dma_wait3A_36 = tpu.memref_slice %arg4[%add3A] : memref<320000xi32, #tpu.memory_space<hbm>> -> memref<800xi32, #tpu.memory_space<hbm>>
        tpu.wait_dma2 semaphore(%run_scoped3A : memref<!tpu.dma_semaphore, #tpu.memory_space<semaphore_mem>>) src(%dma_wait3A_36 : memref<800xi32, #tpu.memory_space<hbm>>) dst(%arg15 : memref<800xi32, #tpu.memory_space<vmem>>)
        tpu.yield
      }) : () -> ()
      %dma_start3A = arith.constant 0 : i32
      %dma_start3A_24 = tpu.memref_slice %arg14[%dma_start3A] : memref<800xi32, #tpu.memory_space<vmem>> -> memref<80xi32, #tpu.memory_space<vmem>>
      %dma_start3A_25 = arith.constant 0 : i32
      %dma_start3A_26 = arith.constant 0 : i32
      %dma_start3A_27 = tpu.memref_slice %arg11[%dma_start3A_25, %dma_start3A_26] : memref<10240x64xbf16, #tpu.memory_space<vmem_shared>> -> memref<10240x64xbf16, #tpu.memory_space<vmem_shared>>
      tpu.enqueue_indirect_dma source(%dma_start3A_27 : memref<10240x64xbf16, #tpu.memory_space<vmem_shared>>) target(%arg16 : memref<80x64xbf16, #tpu.memory_space<vmem>>) offsets(%dma_start3A_24 : memref<80xi32, #tpu.memory_space<vmem>>) semaphore(%arg22 : memref<!tpu.dma_semaphore, #tpu.memory_space<semaphore_mem>>)
      %scan3A_28 = arith.constant 0 : i32
      %scan3A_29 = arith.constant 0 : i32
      %scan3A_30 = arith.constant 5 : i32
      %scan3A_31 = arith.addi %scan3A_29, %scan3A_30 : i32
      %scan3A_32 = arith.constant 1 : i32
      scf.for %scan3A_34 = %scan3A_29 to %scan3A_31 step %scan3A_32  : i32 {
        %mul3A_35 = arith.constant 2 : i32
        %mul3A_36 = arith.muli %mul3A_35, %scan3A_34 : i32
        %mul3A_37 = arith.constant 80 : i32
        %mul3A_38 = arith.muli %mul3A_36, %mul3A_37 : i32
        %add3A_39 = arith.constant 1 : i32
        %add3A_40 = arith.addi %mul3A_36, %add3A_39 : i32
        %mul3A_41 = arith.constant 80 : i32
        %mul3A_42 = arith.muli %add3A_40, %mul3A_41 : i32
        %add3A_43 = arith.constant 2 : i32
        %add3A_44 = arith.addi %mul3A_36, %add3A_43 : i32
        %mul3A_45 = arith.constant 80 : i32
        %mul3A_46 = arith.muli %add3A_44, %mul3A_45 : i32
        %dma_wait3A = tpu.memref_slice %arg14[%mul3A_38] : memref<800xi32, #tpu.memory_space<vmem>> -> memref<80xi32, #tpu.memory_space<vmem>>
        %dma_wait3A_47 = arith.constant 0 : i32
        %dma_wait3A_48 = arith.constant 0 : i32
        %dma_wait3A_49 = tpu.memref_slice %arg11[%dma_wait3A_47, %dma_wait3A_48] : memref<10240x64xbf16, #tpu.memory_space<vmem_shared>> -> memref<10240x64xbf16, #tpu.memory_space<vmem_shared>>
        tpu.wait_indirect_dma semaphore(%arg22 : memref<!tpu.dma_semaphore, #tpu.memory_space<semaphore_mem>>) src(%dma_wait3A_49 : memref<10240x64xbf16, #tpu.memory_space<vmem_shared>>) dst(%arg16 : memref<80x64xbf16, #tpu.memory_space<vmem>>)
        %dma_start3A_50 = tpu.memref_slice %arg14[%mul3A_42] : memref<800xi32, #tpu.memory_space<vmem>> -> memref<80xi32, #tpu.memory_space<vmem>>
        %dma_start3A_51 = arith.constant 0 : i32
        %dma_start3A_52 = arith.constant 0 : i32
        %dma_start3A_53 = tpu.memref_slice %arg11[%dma_start3A_51, %dma_start3A_52] : memref<10240x64xbf16, #tpu.memory_space<vmem_shared>> -> memref<10240x64xbf16, #tpu.memory_space<vmem_shared>>
        tpu.enqueue_indirect_dma source(%dma_start3A_53 : memref<10240x64xbf16, #tpu.memory_space<vmem_shared>>) target(%arg17 : memref<80x64xbf16, #tpu.memory_space<vmem>>) offsets(%dma_start3A_50 : memref<80xi32, #tpu.memory_space<vmem>>) semaphore(%arg23 : memref<!tpu.dma_semaphore, #tpu.memory_space<semaphore_mem>>)
        %dma_start3A_54 = tpu.memref_slice %arg15[%mul3A_38] : memref<800xi32, #tpu.memory_space<vmem>> -> memref<80xi32, #tpu.memory_space<vmem>>
        %dma_start3A_55 = arith.constant 0 : i32
        %dma_start3A_56 = arith.constant 0 : i32
        %dma_start3A_57 = tpu.memref_slice %arg12[%dma_start3A_55, %dma_start3A_56] : memref<10240x64xbf16, #tpu.memory_space<vmem_shared>> -> memref<10240x64xbf16, #tpu.memory_space<vmem_shared>>
        tpu.enqueue_indirect_dma source(%arg16 : memref<80x64xbf16, #tpu.memory_space<vmem>>) target(%dma_start3A_57 : memref<10240x64xbf16, #tpu.memory_space<vmem_shared>>) offsets(%dma_start3A_54 : memref<80xi32, #tpu.memory_space<vmem>>) semaphore(%arg24 : memref<!tpu.dma_semaphore, #tpu.memory_space<semaphore_mem>>) {add = true}
        "tpu.region"() ({
          %run_scoped3A = tpu.sem_alloc : memref<!tpu.dma_semaphore, #tpu.memory_space<semaphore_mem>>
          %dma_start3A_80 = tpu.memref_slice %arg15[%mul3A_38] : memref<800xi32, #tpu.memory_space<vmem>> -> memref<80xi32, #tpu.memory_space<vmem>>
          %dma_start3A_81 = arith.constant 0 : i32
          %dma_start3A_82 = arith.constant 0 : i32
          %dma_start3A_83 = tpu.memref_slice %arg13[%dma_start3A_81, %dma_start3A_82] : memref<10240x8xbf16, #tpu.memory_space<vmem_shared>> -> memref<10240x8xbf16, #tpu.memory_space<vmem_shared>>
          tpu.enqueue_indirect_dma source(%arg18 : memref<80x8xbf16, #tpu.memory_space<vmem>>) target(%dma_start3A_83 : memref<10240x8xbf16, #tpu.memory_space<vmem_shared>>) offsets(%dma_start3A_80 : memref<80xi32, #tpu.memory_space<vmem>>) semaphore(%run_scoped3A : memref<!tpu.dma_semaphore, #tpu.memory_space<semaphore_mem>>) {add = true}
          %dma_wait3A_84 = tpu.memref_slice %arg15[%mul3A_38] : memref<800xi32, #tpu.memory_space<vmem>> -> memref<80xi32, #tpu.memory_space<vmem>>
          %dma_wait3A_85 = arith.constant 0 : i32
          %dma_wait3A_86 = arith.constant 0 : i32
          %dma_wait3A_87 = tpu.memref_slice %arg13[%dma_wait3A_85, %dma_wait3A_86] : memref<10240x8xbf16, #tpu.memory_space<vmem_shared>> -> memref<10240x8xbf16, #tpu.memory_space<vmem_shared>>
          tpu.wait_indirect_dma semaphore(%run_scoped3A : memref<!tpu.dma_semaphore, #tpu.memory_space<semaphore_mem>>) src(%arg18 : memref<80x8xbf16, #tpu.memory_space<vmem>>) dst(%dma_wait3A_87 : memref<10240x8xbf16, #tpu.memory_space<vmem_shared>>)
          tpu.yield
        }) : () -> ()
        %dma_wait3A_58 = tpu.memref_slice %arg14[%mul3A_42] : memref<800xi32, #tpu.memory_space<vmem>> -> memref<80xi32, #tpu.memory_space<vmem>>
        %dma_wait3A_59 = arith.constant 0 : i32
        %dma_wait3A_60 = arith.constant 0 : i32
        %dma_wait3A_61 = tpu.memref_slice %arg11[%dma_wait3A_59, %dma_wait3A_60] : memref<10240x64xbf16, #tpu.memory_space<vmem_shared>> -> memref<10240x64xbf16, #tpu.memory_space<vmem_shared>>
        tpu.wait_indirect_dma semaphore(%arg23 : memref<!tpu.dma_semaphore, #tpu.memory_space<semaphore_mem>>) src(%dma_wait3A_61 : memref<10240x64xbf16, #tpu.memory_space<vmem_shared>>) dst(%arg17 : memref<80x64xbf16, #tpu.memory_space<vmem>>)
        %dma_wait3A_62 = tpu.memref_slice %arg15[%mul3A_38] : memref<800xi32, #tpu.memory_space<vmem>> -> memref<80xi32, #tpu.memory_space<vmem>>
        %dma_wait3A_63 = arith.constant 0 : i32
        %dma_wait3A_64 = arith.constant 0 : i32
        %dma_wait3A_65 = tpu.memref_slice %arg12[%dma_wait3A_63, %dma_wait3A_64] : memref<10240x64xbf16, #tpu.memory_space<vmem_shared>> -> memref<10240x64xbf16, #tpu.memory_space<vmem_shared>>
        tpu.wait_indirect_dma semaphore(%arg24 : memref<!tpu.dma_semaphore, #tpu.memory_space<semaphore_mem>>) src(%arg16 : memref<80x64xbf16, #tpu.memory_space<vmem>>) dst(%dma_wait3A_65 : memref<10240x64xbf16, #tpu.memory_space<vmem_shared>>)
        %add3A_66 = arith.constant 2 : i32
        %add3A_67 = arith.addi %mul3A_36, %add3A_66 : i32
        %lt3A = arith.constant 10 : i32
        %lt3A_68 = arith.cmpi slt, %add3A_67, %lt3A : i32
        %convert_element_type3A_69 = arith.extui %lt3A_68 : i1 to i32
        %cond3A_70 = arith.constant 0 : i32
        %cond3A_71 = arith.cmpi ne, %convert_element_type3A_69, %cond3A_70 : i32
        scf.if %cond3A_71 {
          %dma_start3A_80 = tpu.memref_slice %arg14[%mul3A_46] : memref<800xi32, #tpu.memory_space<vmem>> -> memref<80xi32, #tpu.memory_space<vmem>>
          %dma_start3A_81 = arith.constant 0 : i32
          %dma_start3A_82 = arith.constant 0 : i32
          %dma_start3A_83 = tpu.memref_slice %arg11[%dma_start3A_81, %dma_start3A_82] : memref<10240x64xbf16, #tpu.memory_space<vmem_shared>> -> memref<10240x64xbf16, #tpu.memory_space<vmem_shared>>
          tpu.enqueue_indirect_dma source(%dma_start3A_83 : memref<10240x64xbf16, #tpu.memory_space<vmem_shared>>) target(%arg16 : memref<80x64xbf16, #tpu.memory_space<vmem>>) offsets(%dma_start3A_80 : memref<80xi32, #tpu.memory_space<vmem>>) semaphore(%arg22 : memref<!tpu.dma_semaphore, #tpu.memory_space<semaphore_mem>>)
        } else {
        }
        %dma_start3A_72 = tpu.memref_slice %arg15[%mul3A_42] : memref<800xi32, #tpu.memory_space<vmem>> -> memref<80xi32, #tpu.memory_space<vmem>>
        %dma_start3A_73 = arith.constant 0 : i32
        %dma_start3A_74 = arith.constant 0 : i32
        %dma_start3A_75 = tpu.memref_slice %arg12[%dma_start3A_73, %dma_start3A_74] : memref<10240x64xbf16, #tpu.memory_space<vmem_shared>> -> memref<10240x64xbf16, #tpu.memory_space<vmem_shared>>
        tpu.enqueue_indirect_dma source(%arg17 : memref<80x64xbf16, #tpu.memory_space<vmem>>) target(%dma_start3A_75 : memref<10240x64xbf16, #tpu.memory_space<vmem_shared>>) offsets(%dma_start3A_72 : memref<80xi32, #tpu.memory_space<vmem>>) semaphore(%arg25 : memref<!tpu.dma_semaphore, #tpu.memory_space<semaphore_mem>>) {add = true}
        "tpu.region"() ({
          %run_scoped3A = tpu.sem_alloc : memref<!tpu.dma_semaphore, #tpu.memory_space<semaphore_mem>>
          %dma_start3A_80 = tpu.memref_slice %arg15[%mul3A_42] : memref<800xi32, #tpu.memory_space<vmem>> -> memref<80xi32, #tpu.memory_space<vmem>>
          %dma_start3A_81 = arith.constant 0 : i32
          %dma_start3A_82 = arith.constant 0 : i32
          %dma_start3A_83 = tpu.memref_slice %arg13[%dma_start3A_81, %dma_start3A_82] : memref<10240x8xbf16, #tpu.memory_space<vmem_shared>> -> memref<10240x8xbf16, #tpu.memory_space<vmem_shared>>
          tpu.enqueue_indirect_dma source(%arg18 : memref<80x8xbf16, #tpu.memory_space<vmem>>) target(%dma_start3A_83 : memref<10240x8xbf16, #tpu.memory_space<vmem_shared>>) offsets(%dma_start3A_80 : memref<80xi32, #tpu.memory_space<vmem>>) semaphore(%run_scoped3A : memref<!tpu.dma_semaphore, #tpu.memory_space<semaphore_mem>>) {add = true}
          %dma_wait3A_84 = tpu.memref_slice %arg15[%mul3A_42] : memref<800xi32, #tpu.memory_space<vmem>> -> memref<80xi32, #tpu.memory_space<vmem>>
          %dma_wait3A_85 = arith.constant 0 : i32
          %dma_wait3A_86 = arith.constant 0 : i32
          %dma_wait3A_87 = tpu.memref_slice %arg13[%dma_wait3A_85, %dma_wait3A_86] : memref<10240x8xbf16, #tpu.memory_space<vmem_shared>> -> memref<10240x8xbf16, #tpu.memory_space<vmem_shared>>
          tpu.wait_indirect_dma semaphore(%run_scoped3A : memref<!tpu.dma_semaphore, #tpu.memory_space<semaphore_mem>>) src(%arg18 : memref<80x8xbf16, #tpu.memory_space<vmem>>) dst(%dma_wait3A_87 : memref<10240x8xbf16, #tpu.memory_space<vmem_shared>>)
          tpu.yield
        }) : () -> ()
        %dma_wait3A_76 = tpu.memref_slice %arg15[%mul3A_42] : memref<800xi32, #tpu.memory_space<vmem>> -> memref<80xi32, #tpu.memory_space<vmem>>
        %dma_wait3A_77 = arith.constant 0 : i32
        %dma_wait3A_78 = arith.constant 0 : i32
        %dma_wait3A_79 = tpu.memref_slice %arg12[%dma_wait3A_77, %dma_wait3A_78] : memref<10240x64xbf16, #tpu.memory_space<vmem_shared>> -> memref<10240x64xbf16, #tpu.memory_space<vmem_shared>>
        tpu.wait_indirect_dma semaphore(%arg25 : memref<!tpu.dma_semaphore, #tpu.memory_space<semaphore_mem>>) src(%arg17 : memref<80x64xbf16, #tpu.memory_space<vmem>>) dst(%dma_wait3A_79 : memref<10240x64xbf16, #tpu.memory_space<vmem_shared>>)
      }
      %scan3A_33 = arith.constant 5 : i32
    }
    %scan3A_7 = arith.constant 25 : i32
    %barrier3A_8 = arith.constant 0 : index
    tpu.barrier barrier_id(%barrier3A_8)
    %mul3A_9 = arith.constant 640 : i32
    %mul3A_10 = arith.muli %arg1, %mul3A_9 : i32
    "tpu.region"() ({
      %run_scoped3A = tpu.sem_alloc : memref<!tpu.dma_semaphore, #tpu.memory_space<semaphore_mem>>
      %dma_start3A = tpu.memref_slice %arg5[%mul3A_10] : memref<10240xi32, #tpu.memory_space<hbm>> -> memref<640xi32, #tpu.memory_space<hbm>>
      %dma_start3A_19 = tpu.memref_slice %arg5[%mul3A_10] : memref<10240xi32, #tpu.memory_space<hbm>> -> memref<640xi32, #tpu.memory_space<hbm>>
      tpu.enqueue_dma source(%dma_start3A_19 : memref<640xi32, #tpu.memory_space<hbm>>) target(%arg21 : memref<640xi32, #tpu.memory_space<vmem>>) target_semaphore(%run_scoped3A : memref<!tpu.dma_semaphore, #tpu.memory_space<semaphore_mem>>)
      %dma_wait3A = tpu.memref_slice %arg5[%mul3A_10] : memref<10240xi32, #tpu.memory_space<hbm>> -> memref<640xi32, #tpu.memory_space<hbm>>
      %dma_wait3A_20 = tpu.memref_slice %arg5[%mul3A_10] : memref<10240xi32, #tpu.memory_space<hbm>> -> memref<640xi32, #tpu.memory_space<hbm>>
      tpu.wait_dma2 semaphore(%run_scoped3A : memref<!tpu.dma_semaphore, #tpu.memory_space<semaphore_mem>>) src(%dma_wait3A_20 : memref<640xi32, #tpu.memory_space<hbm>>) dst(%arg21 : memref<640xi32, #tpu.memory_space<vmem>>)
      tpu.yield
    }) : () -> ()
    %scan3A_11 = arith.constant 0 : i32
    %scan3A_12 = arith.constant 0 : i32
    %scan3A_13 = arith.constant 4 : i32
    %scan3A_14 = arith.addi %scan3A_12, %scan3A_13 : i32
    %scan3A_15 = arith.constant 1 : i32
    scf.for %scan3A_19 = %scan3A_12 to %scan3A_14 step %scan3A_15  : i32 {
      %mul3A_20 = arith.constant 160 : i32
      %mul3A_21 = arith.muli %scan3A_19, %mul3A_20 : i32
      %dma_start3A = tpu.memref_slice %arg21[%mul3A_21] : memref<640xi32, #tpu.memory_space<vmem>> -> memref<160xi32, #tpu.memory_space<vmem>>
      %dma_start3A_22 = arith.constant 0 : i32
      %dma_start3A_23 = arith.constant 0 : i32
      %dma_start3A_24 = tpu.memref_slice %arg12[%dma_start3A_22, %dma_start3A_23] : memref<10240x64xbf16, #tpu.memory_space<vmem_shared>> -> memref<10240x64xbf16, #tpu.memory_space<vmem_shared>>
      tpu.enqueue_indirect_dma source(%dma_start3A_24 : memref<10240x64xbf16, #tpu.memory_space<vmem_shared>>) target(%arg19 : memref<160x64xbf16, #tpu.memory_space<vmem>>) offsets(%dma_start3A : memref<160xi32, #tpu.memory_space<vmem>>) semaphore(%arg26 : memref<!tpu.dma_semaphore, #tpu.memory_space<semaphore_mem>>)
      %dma_wait3A = tpu.memref_slice %arg21[%mul3A_21] : memref<640xi32, #tpu.memory_space<vmem>> -> memref<160xi32, #tpu.memory_space<vmem>>
      %dma_wait3A_25 = arith.constant 0 : i32
      %dma_wait3A_26 = arith.constant 0 : i32
      %dma_wait3A_27 = tpu.memref_slice %arg12[%dma_wait3A_25, %dma_wait3A_26] : memref<10240x64xbf16, #tpu.memory_space<vmem_shared>> -> memref<10240x64xbf16, #tpu.memory_space<vmem_shared>>
      tpu.wait_indirect_dma semaphore(%arg26 : memref<!tpu.dma_semaphore, #tpu.memory_space<semaphore_mem>>) src(%dma_wait3A_27 : memref<10240x64xbf16, #tpu.memory_space<vmem_shared>>) dst(%arg19 : memref<160x64xbf16, #tpu.memory_space<vmem>>)
      %mul3A_28 = arith.constant 160 : i32
      %mul3A_29 = arith.muli %scan3A_19, %mul3A_28 : i32
      %add3A = arith.addi %mul3A_10, %mul3A_29 : i32
      "tpu.region"() ({
        %run_scoped3A = tpu.sem_alloc : memref<!tpu.dma_semaphore, #tpu.memory_space<semaphore_mem>>
        %dma_start3A_30 = tpu.memref_slice %arg9[%add3A, %mul3A_2] : memref<10240x128xbf16, #tpu.memory_space<hbm>> -> memref<160x64xbf16, #tpu.memory_space<hbm>>
        %dma_start3A_31 = tpu.memref_slice %arg9[%add3A, %mul3A_2] : memref<10240x128xbf16, #tpu.memory_space<hbm>> -> memref<160x64xbf16, #tpu.memory_space<hbm>>
        tpu.enqueue_dma source(%arg19 : memref<160x64xbf16, #tpu.memory_space<vmem>>) target(%dma_start3A_31 : memref<160x64xbf16, #tpu.memory_space<hbm>>) target_semaphore(%run_scoped3A : memref<!tpu.dma_semaphore, #tpu.memory_space<semaphore_mem>>)
        %dma_wait3A_32 = tpu.memref_slice %arg9[%add3A, %mul3A_2] : memref<10240x128xbf16, #tpu.memory_space<hbm>> -> memref<160x64xbf16, #tpu.memory_space<hbm>>
        %dma_wait3A_33 = tpu.memref_slice %arg9[%add3A, %mul3A_2] : memref<10240x128xbf16, #tpu.memory_space<hbm>> -> memref<160x64xbf16, #tpu.memory_space<hbm>>
        tpu.wait_dma2 semaphore(%run_scoped3A : memref<!tpu.dma_semaphore, #tpu.memory_space<semaphore_mem>>) src(%arg19 : memref<160x64xbf16, #tpu.memory_space<vmem>>) dst(%dma_wait3A_33 : memref<160x64xbf16, #tpu.memory_space<hbm>>)
        tpu.yield
      }) : () -> ()
    }
    %scan3A_16 = arith.constant 4 : i32
    %eq3A = arith.constant 0 : i32
    %eq3A_17 = arith.cmpi eq, %arg0, %eq3A : i32
    %convert_element_type3A = arith.extui %eq3A_17 : i1 to i32
    %cond3A = arith.constant 0 : i32
    %cond3A_18 = arith.cmpi ne, %convert_element_type3A, %cond3A : i32
    scf.if %cond3A_18 {
      %dma_start3A = arith.constant 0 : i32
      %dma_start3A_19 = arith.constant 0 : i32
      %dma_start3A_20 = tpu.memref_slice %arg13[%dma_start3A, %dma_start3A_19] : memref<10240x8xbf16, #tpu.memory_space<vmem_shared>> -> memref<10240x8xbf16, #tpu.memory_space<vmem_shared>>
      tpu.enqueue_indirect_dma source(%dma_start3A_20 : memref<10240x8xbf16, #tpu.memory_space<vmem_shared>>) target(%arg20 : memref<640x8xbf16, #tpu.memory_space<vmem>>) offsets(%arg21 : memref<640xi32, #tpu.memory_space<vmem>>) semaphore(%arg26 : memref<!tpu.dma_semaphore, #tpu.memory_space<semaphore_mem>>)
      %dma_wait3A = arith.constant 0 : i32
      %dma_wait3A_21 = arith.constant 0 : i32
      %dma_wait3A_22 = tpu.memref_slice %arg13[%dma_wait3A, %dma_wait3A_21] : memref<10240x8xbf16, #tpu.memory_space<vmem_shared>> -> memref<10240x8xbf16, #tpu.memory_space<vmem_shared>>
      tpu.wait_indirect_dma semaphore(%arg26 : memref<!tpu.dma_semaphore, #tpu.memory_space<semaphore_mem>>) src(%dma_wait3A_22 : memref<10240x8xbf16, #tpu.memory_space<vmem_shared>>) dst(%arg20 : memref<640x8xbf16, #tpu.memory_space<vmem>>)
      "tpu.region"() ({
        %run_scoped3A = tpu.sem_alloc : memref<!tpu.dma_semaphore, #tpu.memory_space<semaphore_mem>>
        %dma_start3A_23 = arith.constant 0 : i32
        %dma_start3A_24 = tpu.memref_slice %arg10[%mul3A_10, %dma_start3A_23] : memref<10240x8xbf16, #tpu.memory_space<hbm>> -> memref<640x8xbf16, #tpu.memory_space<hbm>>
        %dma_start3A_25 = arith.constant 0 : i32
        %dma_start3A_26 = tpu.memref_slice %arg10[%mul3A_10, %dma_start3A_25] : memref<10240x8xbf16, #tpu.memory_space<hbm>> -> memref<640x8xbf16, #tpu.memory_space<hbm>>
        tpu.enqueue_dma source(%arg20 : memref<640x8xbf16, #tpu.memory_space<vmem>>) target(%dma_start3A_26 : memref<640x8xbf16, #tpu.memory_space<hbm>>) target_semaphore(%run_scoped3A : memref<!tpu.dma_semaphore, #tpu.memory_space<semaphore_mem>>)
        %dma_wait3A_27 = arith.constant 0 : i32
        %dma_wait3A_28 = tpu.memref_slice %arg10[%mul3A_10, %dma_wait3A_27] : memref<10240x8xbf16, #tpu.memory_space<hbm>> -> memref<640x8xbf16, #tpu.memory_space<hbm>>
        %dma_wait3A_29 = arith.constant 0 : i32
        %dma_wait3A_30 = tpu.memref_slice %arg10[%mul3A_10, %dma_wait3A_29] : memref<10240x8xbf16, #tpu.memory_space<hbm>> -> memref<640x8xbf16, #tpu.memory_space<hbm>>
        tpu.wait_dma2 semaphore(%run_scoped3A : memref<!tpu.dma_semaphore, #tpu.memory_space<semaphore_mem>>) src(%arg20 : memref<640x8xbf16, #tpu.memory_space<vmem>>) dst(%dma_wait3A_30 : memref<640x8xbf16, #tpu.memory_space<hbm>>)
        tpu.yield
      }) : () -> ()
    } else {
    }
    return
  }
}

module attributes {stable_mosaic.version = 14 : i64} {
  func.func @_proj_body(%arg0: memref<10000x128xf32, #tpu.memory_space<vmem>>, %arg1: memref<10000x128xf32, #tpu.memory_space<vmem>>, %arg2: memref<64x128xf32, #tpu.memory_space<vmem>>, %arg3: memref<10240x128xbf16, #tpu.memory_space<vmem>>) attributes {dimension_semantics = [], scalar_prefetch = 0 : i64, scratch_operands = 0 : i64, tpu.core_type = #tpu.core_type<tc>} {
    %get3A = arith.constant 0 : index
    %get3A_0 = arith.constant 0 : index
    %get3A_1 = vector.load %arg2[%get3A, %get3A_0] : memref<64x128xf32, #tpu.memory_space<vmem>>, vector<64x128xf32>
    %transpose3A = tpu.transpose %get3A_1, [1, 0] : vector<64x128xf32> -> vector<128x64xf32>
    %get3A_2 = arith.constant 0 : index
    %get3A_3 = arith.constant 0 : index
    %get3A_4 = vector.load %arg0[%get3A_2, %get3A_3] : memref<10000x128xf32, #tpu.memory_space<vmem>>, vector<10000x128xf32>
    %dot_general3A = arith.constant dense<0.000000e+00> : vector<10000x64xf32>
    %dot_general3A_5 = tpu.matmul %get3A_4, %transpose3A, %dot_general3A {dimension_numbers = #tpu.dot_dimension_numbers<[1], [0], [0], [1], [0, 0, 1, 1], [], []>, transpose_lhs_hint = false} : vector<10000x128xf32>, vector<128x64xf32>, vector<10000x64xf32> -> vector<10000x64xf32>
    %get3A_6 = arith.constant 0 : index
    %get3A_7 = arith.constant 0 : index
    %get3A_8 = vector.load %arg1[%get3A_6, %get3A_7] : memref<10000x128xf32, #tpu.memory_space<vmem>>, vector<10000x128xf32>
    %dot_general3A_9 = arith.constant dense<0.000000e+00> : vector<10000x64xf32>
    %dot_general3A_10 = tpu.matmul %get3A_8, %transpose3A, %dot_general3A_9 {dimension_numbers = #tpu.dot_dimension_numbers<[1], [0], [0], [1], [0, 0, 1, 1], [], []>, transpose_lhs_hint = false} : vector<10000x128xf32>, vector<128x64xf32>, vector<10000x64xf32> -> vector<10000x64xf32>
    %convert_element_type3A = arith.truncf %dot_general3A_5 : vector<10000x64xf32> to vector<10000x64xbf16>
    %swap3A = arith.constant 0 : index
    %swap3A_11 = arith.constant 0 : index
    %swap3A_12 = vector.load %arg3[%swap3A, %swap3A_11] : memref<10240x128xbf16, #tpu.memory_space<vmem>>, vector<10000x64xbf16>
    tpu.vector_store %arg3[%swap3A, %swap3A_11], %convert_element_type3A {strides = array<i32>} : memref<10240x128xbf16, #tpu.memory_space<vmem>>, vector<10000x64xbf16>,
    %add3A = arith.addf %dot_general3A_5, %dot_general3A_10 : vector<10000x64xf32>
    %convert_element_type3A_13 = arith.truncf %add3A : vector<10000x64xf32> to vector<10000x64xbf16>
    %swap3A_14 = arith.constant 0 : index
    %swap3A_15 = arith.constant 64 : index
    %swap3A_16 = vector.load %arg3[%swap3A_14, %swap3A_15] : memref<10240x128xbf16, #tpu.memory_space<vmem>>, vector<10000x64xbf16>
    tpu.vector_store %arg3[%swap3A_14, %swap3A_15], %convert_element_type3A_13 {strides = array<i32>} : memref<10240x128xbf16, #tpu.memory_space<vmem>>, vector<10000x64xbf16>,
    return
  }
}

module attributes {stable_mosaic.version = 14 : i64} {
  func.func @_mlp_body(%arg0: i32, %arg1: memref<2000x128xbf16, #tpu.memory_space<vmem>>, %arg2: memref<2000x8xbf16, #tpu.memory_space<vmem>>, %arg3: memref<64x64xf32, #tpu.memory_space<vmem>>, %arg4: memref<64xf32, #tpu.memory_space<vmem>>, %arg5: memref<1x64xf32, #tpu.memory_space<vmem>>, %arg6: memref<1xf32, #tpu.memory_space<vmem>>, %arg7: memref<2000x2xf32, #tpu.memory_space<vmem>>) attributes {dimension_semantics = [#tpu.dimension_semantics<arbitrary>], iteration_bounds = array<i64: 5>, scalar_prefetch = 0 : i64, scratch_operands = 0 : i64, tpu.core_type = #tpu.core_type<tc>, window_params = [{transform_indices = @transform_0, window_bounds = array<i64: 2000, 128>}, {transform_indices = @transform_1, window_bounds = array<i64: 2000, 8>}, {pipeline_mode = #tpu.pipeline_mode<synchronous>, transform_indices = @transform_2, window_bounds = array<i64: 64, 64>}, {pipeline_mode = #tpu.pipeline_mode<synchronous>, transform_indices = @transform_3, window_bounds = array<i64: 64>}, {pipeline_mode = #tpu.pipeline_mode<synchronous>, transform_indices = @transform_4, window_bounds = array<i64: 1, 64>}, {pipeline_mode = #tpu.pipeline_mode<synchronous>, transform_indices = @transform_5, window_bounds = array<i64: 1>}, {transform_indices = @transform_6, window_bounds = array<i64: 2000, 2>}]} {
    %get3A = arith.constant 0 : index
    %get3A_0 = arith.constant 0 : index
    %get3A_1 = vector.load %arg2[%get3A, %get3A_0] : memref<2000x8xbf16, #tpu.memory_space<vmem>>, vector<2000x8xbf16>
    %slice3A = vector.extract_strided_slice %get3A_1 {offsets = [0, 0], sizes = [2000, 1], strides = [1, 1]} : vector<2000x8xbf16> to vector<2000x1xbf16>
    %squeeze3A = vector.shape_cast %slice3A : vector<2000x1xbf16> to vector<2000xbf16>
    %convert_element_type3A = arith.extf %squeeze3A : vector<2000xbf16> to vector<2000xf32>
    %max3A = arith.constant 1.000000e+00 : f32
    %max3A_2 = vector.broadcast %max3A : f32 to vector<2000xf32>
    %max3A_3 = arith.maximumf %convert_element_type3A, %max3A_2 : vector<2000xf32>
    %broadcast_in_dim3A = vector.shape_cast %max3A_3 : vector<2000xf32> to vector<2000x1xf32>
    %get3A_4 = arith.constant 0 : index
    %get3A_5 = arith.constant 0 : index
    %get3A_6 = vector.load %arg3[%get3A_4, %get3A_5] : memref<64x64xf32, #tpu.memory_space<vmem>>, vector<64x64xf32>
    %transpose3A = tpu.transpose %get3A_6, [1, 0] : vector<64x64xf32> -> vector<64x64xf32>
    %iota3A = tpu.iota {dimensions = array<i32: 1>} : vector<64x128xi32>
    %eq3A = arith.constant 0 : i32
    %eq3A_7 = vector.broadcast %eq3A : i32 to vector<64x128xi32>
    %eq3A_8 = arith.cmpi eq, %iota3A, %eq3A_7 : vector<64x128xi32>
    %get3A_9 = arith.constant 0 : index
    %get3A_10 = arith.constant 0 : index
    %get3A_11 = vector.load %arg5[%get3A_9, %get3A_10] : memref<1x64xf32, #tpu.memory_space<vmem>>, vector<1x64xf32>
    %transpose3A_12 = tpu.transpose %get3A_11, [1, 0] : vector<1x64xf32> -> vector<64x1xf32>
    %jit3A = arith.constant 0.000000e+00 : f32
    %broadcast_in_dim3A_13 = vector.shape_cast %transpose3A_12 : vector<64x1xf32> to vector<64x1xf32>
    %broadcast_in_dim3A_14 = vector.broadcast %broadcast_in_dim3A_13 : vector<64x1xf32> to vector<64x128xf32>
    %broadcast_in_dim3A_15 = vector.broadcast %jit3A : f32 to vector<64x128xf32>
    %select_n3A = arith.select %eq3A_8, %broadcast_in_dim3A_14, %broadcast_in_dim3A_15 : vector<64x128xi1>, vector<64x128xf32>
    %get3A_16 = arith.constant 0 : index
    %get3A_17 = arith.constant 0 : index
    %get3A_18 = vector.load %arg1[%get3A_16, %get3A_17] : memref<2000x128xbf16, #tpu.memory_space<vmem>>, vector<2000x128xbf16>
    %slice3A_19 = vector.extract_strided_slice %get3A_18 {offsets = [0, 0], sizes = [2000, 64], strides = [1, 1]} : vector<2000x128xbf16> to vector<2000x64xbf16>
    %convert_element_type3A_20 = arith.extf %slice3A_19 : vector<2000x64xbf16> to vector<2000x64xf32>
    %max3A_21 = arith.constant 0.000000e+00 : f32
    %max3A_22 = vector.broadcast %max3A_21 : f32 to vector<2000x64xf32>
    %max3A_23 = arith.maximumf %convert_element_type3A_20, %max3A_22 : vector<2000x64xf32>
    %div3A = vector.broadcast %broadcast_in_dim3A : vector<2000x1xf32> to vector<2000x64xf32>
    %div3A_24 = arith.divf %max3A_23, %div3A : vector<2000x64xf32>
    %dot_general3A = arith.constant dense<0.000000e+00> : vector<2000x64xf32>
    %dot_general3A_25 = tpu.matmul %div3A_24, %transpose3A, %dot_general3A {dimension_numbers = #tpu.dot_dimension_numbers<[1], [0], [0], [1], [0, 0, 1, 1], [], []>, transpose_lhs_hint = false} : vector<2000x64xf32>, vector<64x64xf32>, vector<2000x64xf32> -> vector<2000x64xf32>
    %get3A_26 = arith.constant 0 : index
    %get3A_27 = vector.load %arg4[%get3A_26] : memref<64xf32, #tpu.memory_space<vmem>>, vector<64xf32>
    %broadcast_in_dim3A_28 = vector.shape_cast %get3A_27 : vector<64xf32> to vector<1x64xf32>
    %add3A = vector.broadcast %broadcast_in_dim3A_28 : vector<1x64xf32> to vector<2000x64xf32>
    %add3A_29 = arith.addf %dot_general3A_25, %add3A : vector<2000x64xf32>
    %logistic3A = arith.negf %add3A_29 : vector<2000x64xf32>
    %logistic3A_30 = math.exp %logistic3A : vector<2000x64xf32>
    %logistic3A_31 = arith.constant 1.000000e+00 : f32
    %logistic3A_32 = vector.broadcast %logistic3A_31 : f32 to vector<2000x64xf32>
    %logistic3A_33 = arith.addf %logistic3A_32, %logistic3A_30 : vector<2000x64xf32>
    %logistic3A_34 = arith.divf %logistic3A_32, %logistic3A_33 : vector<2000x64xf32>
    %dot_general3A_35 = arith.constant dense<0.000000e+00> : vector<2000x128xf32>
    %dot_general3A_36 = tpu.matmul %logistic3A_34, %select_n3A, %dot_general3A_35 {dimension_numbers = #tpu.dot_dimension_numbers<[1], [0], [0], [1], [0, 0, 1, 1], [], []>, transpose_lhs_hint = false} : vector<2000x64xf32>, vector<64x128xf32>, vector<2000x128xf32> -> vector<2000x128xf32>
    %slice3A_37 = vector.extract_strided_slice %dot_general3A_36 {offsets = [0, 0], sizes = [2000, 1], strides = [1, 1]} : vector<2000x128xf32> to vector<2000x1xf32>
    %squeeze3A_38 = vector.shape_cast %slice3A_37 : vector<2000x1xf32> to vector<2000xf32>
    %get3A_39 = arith.constant 0 : index
    %get3A_40 = vector.load %arg6[%get3A_39] : memref<1xf32, #tpu.memory_space<vmem>>, vector<1xf32>
    %get3A_41 = vector.extract %get3A_40[0] : f32 from vector<1xf32>
    %add3A_42 = vector.broadcast %get3A_41 : f32 to vector<2000xf32>
    %add3A_43 = arith.addf %squeeze3A_38, %add3A_42 : vector<2000xf32>
    %logistic3A_44 = arith.negf %add3A_43 : vector<2000xf32>
    %logistic3A_45 = math.exp %logistic3A_44 : vector<2000xf32>
    %logistic3A_46 = arith.constant 1.000000e+00 : f32
    %logistic3A_47 = vector.broadcast %logistic3A_46 : f32 to vector<2000xf32>
    %logistic3A_48 = arith.addf %logistic3A_47, %logistic3A_45 : vector<2000xf32>
    %logistic3A_49 = arith.divf %logistic3A_47, %logistic3A_48 : vector<2000xf32>
    %swap3A = arith.constant 0 : index
    %swap3A_50 = arith.constant 0 : index
    %swap3A_51 = vector.load %arg7[%swap3A, %swap3A_50] : memref<2000x2xf32, #tpu.memory_space<vmem>>, vector<2000x1xf32>
    %swap3A_52 = vector.shape_cast %swap3A_51 : vector<2000x1xf32> to vector<2000xf32>
    %swap3A_53 = vector.shape_cast %logistic3A_49 : vector<2000xf32> to vector<2000x1xf32>
    tpu.vector_store %arg7[%swap3A, %swap3A_50], %swap3A_53 {strides = array<i32>} : memref<2000x2xf32, #tpu.memory_space<vmem>>, vector<2000x1xf32>,
    %get3A_54 = arith.constant 0 : index
    %get3A_55 = arith.constant 0 : index
    %get3A_56 = vector.load %arg1[%get3A_54, %get3A_55] : memref<2000x128xbf16, #tpu.memory_space<vmem>>, vector<2000x128xbf16>
    %slice3A_57 = vector.extract_strided_slice %get3A_56 {offsets = [0, 64], sizes = [2000, 64], strides = [1, 1]} : vector<2000x128xbf16> to vector<2000x64xbf16>
    %convert_element_type3A_58 = arith.extf %slice3A_57 : vector<2000x64xbf16> to vector<2000x64xf32>
    %max3A_59 = arith.constant 0.000000e+00 : f32
    %max3A_60 = vector.broadcast %max3A_59 : f32 to vector<2000x64xf32>
    %max3A_61 = arith.maximumf %convert_element_type3A_58, %max3A_60 : vector<2000x64xf32>
    %div3A_62 = vector.broadcast %broadcast_in_dim3A : vector<2000x1xf32> to vector<2000x64xf32>
    %div3A_63 = arith.divf %max3A_61, %div3A_62 : vector<2000x64xf32>
    %dot_general3A_64 = arith.constant dense<0.000000e+00> : vector<2000x64xf32>
    %dot_general3A_65 = tpu.matmul %div3A_63, %transpose3A, %dot_general3A_64 {dimension_numbers = #tpu.dot_dimension_numbers<[1], [0], [0], [1], [0, 0, 1, 1], [], []>, transpose_lhs_hint = false} : vector<2000x64xf32>, vector<64x64xf32>, vector<2000x64xf32> -> vector<2000x64xf32>
    %get3A_66 = arith.constant 0 : index
    %get3A_67 = vector.load %arg4[%get3A_66] : memref<64xf32, #tpu.memory_space<vmem>>, vector<64xf32>
    %broadcast_in_dim3A_68 = vector.shape_cast %get3A_67 : vector<64xf32> to vector<1x64xf32>
    %add3A_69 = vector.broadcast %broadcast_in_dim3A_68 : vector<1x64xf32> to vector<2000x64xf32>
    %add3A_70 = arith.addf %dot_general3A_65, %add3A_69 : vector<2000x64xf32>
    %logistic3A_71 = arith.negf %add3A_70 : vector<2000x64xf32>
    %logistic3A_72 = math.exp %logistic3A_71 : vector<2000x64xf32>
    %logistic3A_73 = arith.constant 1.000000e+00 : f32
    %logistic3A_74 = vector.broadcast %logistic3A_73 : f32 to vector<2000x64xf32>
    %logistic3A_75 = arith.addf %logistic3A_74, %logistic3A_72 : vector<2000x64xf32>
    %logistic3A_76 = arith.divf %logistic3A_74, %logistic3A_75 : vector<2000x64xf32>
    %dot_general3A_77 = arith.constant dense<0.000000e+00> : vector<2000x128xf32>
    %dot_general3A_78 = tpu.matmul %logistic3A_76, %select_n3A, %dot_general3A_77 {dimension_numbers = #tpu.dot_dimension_numbers<[1], [0], [0], [1], [0, 0, 1, 1], [], []>, transpose_lhs_hint = false} : vector<2000x64xf32>, vector<64x128xf32>, vector<2000x128xf32> -> vector<2000x128xf32>
    %slice3A_79 = vector.extract_strided_slice %dot_general3A_78 {offsets = [0, 0], sizes = [2000, 1], strides = [1, 1]} : vector<2000x128xf32> to vector<2000x1xf32>
    %squeeze3A_80 = vector.shape_cast %slice3A_79 : vector<2000x1xf32> to vector<2000xf32>
    %get3A_81 = arith.constant 0 : index
    %get3A_82 = vector.load %arg6[%get3A_81] : memref<1xf32, #tpu.memory_space<vmem>>, vector<1xf32>
    %get3A_83 = vector.extract %get3A_82[0] : f32 from vector<1xf32>
    %add3A_84 = vector.broadcast %get3A_83 : f32 to vector<2000xf32>
    %add3A_85 = arith.addf %squeeze3A_80, %add3A_84 : vector<2000xf32>
    %logistic3A_86 = arith.negf %add3A_85 : vector<2000xf32>
    %logistic3A_87 = math.exp %logistic3A_86 : vector<2000xf32>
    %logistic3A_88 = arith.constant 1.000000e+00 : f32
    %logistic3A_89 = vector.broadcast %logistic3A_88 : f32 to vector<2000xf32>
    %logistic3A_90 = arith.addf %logistic3A_89, %logistic3A_87 : vector<2000xf32>
    %logistic3A_91 = arith.divf %logistic3A_89, %logistic3A_90 : vector<2000xf32>
    %swap3A_92 = arith.constant 0 : index
    %swap3A_93 = arith.constant 1 : index
    %swap3A_94 = vector.load %arg7[%swap3A_92, %swap3A_93] : memref<2000x2xf32, #tpu.memory_space<vmem>>, vector<2000x1xf32>
    %swap3A_95 = vector.shape_cast %swap3A_94 : vector<2000x1xf32> to vector<2000xf32>
    %swap3A_96 = vector.shape_cast %logistic3A_91 : vector<2000xf32> to vector<2000x1xf32>
    tpu.vector_store %arg7[%swap3A_92, %swap3A_93], %swap3A_96 {strides = array<i32>} : memref<2000x2xf32, #tpu.memory_space<vmem>>, vector<2000x1xf32>,
    return
  }
  func.func @transform_0(%arg0: i32) -> (i32, i32) {
    %c0_i32 = arith.constant 0 : i32
    %c0_i32_0 = arith.constant 0 : i32
    return %arg0, %c0_i32 : i32, i32
  }
  func.func @transform_1(%arg0: i32) -> (i32, i32) {
    %c0_i32 = arith.constant 0 : i32
    %c0_i32_0 = arith.constant 0 : i32
    return %arg0, %c0_i32 : i32, i32
  }
  func.func @transform_2(%arg0: i32) -> (i32, i32) {
    %c0_i32 = arith.constant 0 : i32
    %c0_i32_0 = arith.constant 0 : i32
    %c0_i32_1 = arith.constant 0 : i32
    return %c0_i32, %c0_i32_0 : i32, i32
  }
  func.func @transform_3(%arg0: i32) -> i32 {
    %c0_i32 = arith.constant 0 : i32
    %c0_i32_0 = arith.constant 0 : i32
    return %c0_i32 : i32
  }
  func.func @transform_4(%arg0: i32) -> (i32, i32) {
    %c0_i32 = arith.constant 0 : i32
    %c0_i32_0 = arith.constant 0 : i32
    %c0_i32_1 = arith.constant 0 : i32
    return %c0_i32, %c0_i32_0 : i32, i32
  }
  func.func @transform_5(%arg0: i32) -> i32 {
    %c0_i32 = arith.constant 0 : i32
    %c0_i32_0 = arith.constant 0 : i32
    return %c0_i32 : i32
  }
  func.func @transform_6(%arg0: i32) -> (i32, i32) {
    %c0_i32 = arith.constant 0 : i32
    %c0_i32_0 = arith.constant 0 : i32
    return %arg0, %c0_i32 : i32, i32
  }
}

</mosaic_0001>

<sc_bundles>
// kernel: kernel.5.cloned.1.call-start
scs
__scs_entry_jumppad:
0x0: {  	(pc) =	sbr.rel $0x88, $3  }
0x1: {  	(tag) =	ssettag $0x0;
	lr =	simm.s32 $0x1  }
0x2: {  	[smem:$0x3F98] =	sst lr;
	_ =	strace $0xD0000000  }
0x3: {  	_ = 	snop  }
0x4: {  	_ = 	snop  }
0x5: {  	_ = 	snop  }
0x6: {  	_ = 	snop  }
0x7: {  	_ = 	snop  }
__scs_overlays_trampoline_lowered:
0x8: {  	[smem:$0x3FA7] =	sst s0  }
0x9: {  	[smem:$0x3FA8] =	sst s1  }
0xa: {  	[smem:$0x3FA9] =	sst s2  }
0xb: {  	[smem:$0x3FAA] =	sst s3  }
0xc: {  	[smem:$0x3FAB] =	sst s4  }
0xd: {  	[smem:$0x3FAC] =	sst s5  }
0xe: {  	[smem:$0x3FAD] =	sst s6  }
0xf: {  	[smem:$0x3FAE] =	sst s7  }
0x10: {  	[smem:$0x3FAF] =	sst s8  }
0x11: {  	[smem:$0x3FB0] =	sst s9;
	s0 =	simm.s32 @!p0 $0x0  }
0x12: {  	s1 =	sld [smem:$0x3F96];
	s0 =	simm.s32 @p0 $0x1  }
0x13: {  	[smem:$0x3FB1] =	sst s0;
	s0 =	simm.s32 @!p1 $0x0  }
0x14: {  	s2 =	sld [smem:$0x3F95];
	s0 =	simm.s32 @p1 $0x1  }
0x15: {  	[smem:$0x3FB2] =	sst s0;
	s0 =	simm.s32 @!p2 $0x0  }
0x16: {  	s3 =	sld [smem:$0x3FDB];
	s0 =	simm.s32 @p2 $0x1  }
0x17: {  	s4 =	simm.s32 $0x1BF5;
	[smem:$0x3FB4] =	sst s0  }
0x18: {  	s0 =	sld [smem:$0x3F97];
	_ =	swait.ge [sflag:s4], $0x0  }
0x19: {  	s7 =	sld [smem:$0x3F98]  }
0x1a: {  	s8 =	sadd.s32 $0xFFFFE003, lr  }
0x1b: {  	s9 =	sadd.s32 $0xFFFFFEF7, lr;
	s5 =	simm.s32 $0xFFFFFFFF;
	p2 =	slt.u32 s8, $0xFFFFF086  }
0x1c: {  	p1 =	slt.u32 s9, $0xF7A;
	s5 =	simm.s32 @!p2 $0x0  }
0x1d: {  	s5 =	simm.s32 @p1 $0x1;
	p0 =	seq.s32 s7, s2  }
0x1e: {  	s7 =	smul.u32 @!p0 $0xF7A, s2;
	p2 =	seq.s32 @!p0 s5, $0x0  }
0x1f: {  	s9 =	smul.u32 $0xF7A, s1;
	s8 =	simm.s32 @!p0 $0x1BF5;
	p2 =	por !p2, p0  }
0x20: {  	[sflag:s8] =	ssyncset.s32 @!p0 $0xFFFFF086;
	s6 =	sadd.s32 @!p0 s3, s7;
	s7 =	simm.s32 @!p0 $0x108  }
0x21: {  	s3 =	sadd.s32 s3, s9;
	s6 =	sadd.s32 @!p0 $0x88, s6;
	s7 =	simm.s32 @p2 $0x1082  }
0x22: {  	[simem:s7], [sflag:s8] =	dma.local @!p0 [hbm:s6], $0xF7A  }
0x23: {  	s9 =	sor.u32 $0xD0000000, s2;
	s6 =	simm.s32 $0x108;
	_ =	swait.ge @!p0 [sflag:s8], $0x0  }
0x24: {  	s3 =	sadd.s32 $0x88, s3;
	s6 =	simm.s32 @!p1 $0x1082;
	[sflag:s4] =	ssyncset.s32 $0xFFFFF086  }
0x25: {  	[simem:s6], [sflag:s4] =	dma.local [hbm:s3], $0xF7A  }
0x26: {  	[smem:$0x3F98] =	sst s1;
	(tag) =	ssettag s2;
	_ =	strace s9  }
0x27: {  	s1 =	sld [smem:$0x3FA8]  }
0x28: {  	s2 =	sld [smem:$0x3FA9]  }
0x29: {  	s4 =	sld [smem:$0x3FAB]  }
0x2a: {  	p0 =	seq.s32 s5, $0x0;
	s5 =	sld [smem:$0x3FAC]  }
0x2b: {  	s6 =	sld [smem:$0x3FAD]  }
0x2c: {  	s7 =	sld [smem:$0x3FAE]  }
0x2d: {  	s3 =	simm.s32 $0x108;
	s8 =	sld [smem:$0x3FAF]  }
0x2e: {  	s3 =	simm.s32 @!p0 $0x1082;
	s9 =	sld [smem:$0x3FB0]  }
0x2f: {  	lr =	sadd.s32 s0, s3;
	s0 =	sld [smem:$0x3FA7]  }
0x30: {  	s3 =	sld [smem:$0x3FAA]  }
0x31: {  	[smem:$0x3FB3] =	sst s10  }
0x32: {  	s10 =	sld [smem:$0x3FB1];
	_ =	sdelay $0x3  }
0x33: {  	p0 =	seq.s32 s10, $0x1;
	s10 =	sld [smem:$0x3FB3];
	_ =	sdelay $0x3  }
0x34: {  	[smem:$0x3FB3] =	sst s10  }
0x35: {  	s10 =	sld [smem:$0x3FB2];
	_ =	sdelay $0x3  }
0x36: {  	p1 =	seq.s32 s10, $0x1;
	s10 =	sld [smem:$0x3FB3];
	_ =	sdelay $0x3  }
0x37: {  	[smem:$0x3FB3] =	sst s10  }
0x38: {  	s10 =	sld [smem:$0x3FB4]  }
0x39: {  	_ = 	snop;
	(pc) =	sbr.ind lr, $3  }
0x3a: {  	_ = 	snop  }
0x3b: {  	_ = 	snop  }
0x3c: {  	p2 =	seq.s32 s10, $0x1;
	s10 =	sld [smem:$0x3FB3]  }
0x3d: {  	_ =	shalt  }
0x3e: {  	_ =	shalt  }
0x3f: {  	_ =	shalt  }
0x40: {  	_ =	shalt  }
0x41: {  	_ =	shalt  }
0x42: {  	_ =	shalt  }
0x43: {  	_ =	shalt  }
0x44: {  	_ =	shalt  }
0x45: {  	_ =	shalt  }
0x46: {  	_ =	shalt  }
0x47: {  	_ =	shalt  }
0x48: {  	_ =	shalt  }
0x49: {  	_ =	shalt  }
0x4a: {  	_ =	shalt  }
0x4b: {  	_ =	shalt  }
0x4c: {  	_ =	shalt  }
0x4d: {  	_ =	shalt  }
0x4e: {  	_ =	shalt  }
0x4f: {  	_ =	shalt  }
0x50: {  	_ =	shalt  }
0x51: {  	_ =	shalt  }
0x52: {  	_ =	shalt  }
0x53: {  	_ =	shalt  }
0x54: {  	_ =	shalt  }
0x55: {  	_ =	shalt  }
0x56: {  	_ =	shalt  }
0x57: {  	_ =	shalt  }
0x58: {  	_ =	shalt  }
0x59: {  	_ =	shalt  }
0x5a: {  	_ =	shalt  }
0x5b: {  	_ =	shalt  }
0x5c: {  	_ =	shalt  }
0x5d: {  	_ =	shalt  }
0x5e: {  	_ =	shalt  }
0x5f: {  	_ =	shalt  }
0x60: {  	_ =	shalt  }
0x61: {  	_ =	shalt  }
0x62: {  	_ =	shalt  }
0x63: {  	_ =	shalt  }
0x64: {  	_ =	shalt  }
0x65: {  	_ =	shalt  }
0x66: {  	_ =	shalt  }
0x67: {  	_ =	shalt  }
0x68: {  	_ =	shalt  }
0x69: {  	_ =	shalt  }
0x6a: {  	_ =	shalt  }
0x6b: {  	_ =	shalt  }
0x6c: {  	_ =	shalt  }
0x6d: {  	_ =	shalt  }
0x6e: {  	_ =	shalt  }
0x6f: {  	_ =	shalt  }
0x70: {  	_ =	shalt  }
0x71: {  	_ =	shalt  }
0x72: {  	_ =	shalt  }
0x73: {  	_ =	shalt  }
0x74: {  	_ =	shalt  }
0x75: {  	_ =	shalt  }
0x76: {  	_ =	shalt  }
0x77: {  	_ =	shalt  }
0x78: {  	_ =	shalt  }
0x79: {  	_ =	shalt  }
0x7a: {  	_ =	shalt  }
0x7b: {  	_ =	shalt  }
0x7c: {  	_ =	shalt  }
0x7d: {  	_ =	shalt  }
0x7e: {  	_ =	shalt  }
0x7f: {  	_ =	shalt  }
0x80: {  	_ =	shalt  }
0x81: {  	_ =	shalt  }
0x82: {  	_ =	shalt  }
0x83: {  	_ =	shalt  }
0x84: {  	_ =	shalt  }
0x85: {  	_ =	shalt  }
0x86: {  	_ =	shalt  }
0x87: {  	_ =	shalt  }
.Lfunc_end0:
.L_simem_size_0:
called_computation_lowered:
.L_overlay_start_0:
0x88: {  	s2 =	sld [smem:$0x3FD9]  }
0x89: {  	s3 =	sld [smem:$0x3FFE];
	_ =	sdelay $0x1  }
0x8a: {  	s1 =	srdreg.scid  }
0x8b: {  	s0 =	sand.u32 $0x1, s1  }
0x8c: {  	s14 =	sshll.u32 s0, $0xA;
	s2 =	sadd.s32 s3, s2  }
0x8d: {  	s2 =	sadd.s32 s2, s14  }
0x8e: {  	[smem:$0x3FBF] =	sst s2  }
0x8f: {  	_ = 	snop  }
0x90: {  	s2 =	sld [smem:$0x3FD0];
	_ =	sdelay $0x2  }
0x91: {  	s15 =	simm.s32 $0xA;
	s4 =	simm.s32 $0x10  }
0x92: {  	[smem:s4], [sflag:s15] =	dma.local [hbm:s2], $0x1  }
0x93: {  	_ =	swait.eq [sflag:s15], $0x1  }
0x94: {  	s16 =	sld [smem:$0x10];
	[sflag:s15] =	ssyncset.done $0x0  }
0x95: {  	s17 =	sld [smem:$0x11];
	[sflag:s15] =	ssyncadd.s32 $0xFFFFFFFF  }
0x96: {  	s18 =	sld [smem:$0x12];
	(tm) =	ssettm $0x1  }
0x97: {  	s5 =	sld [smem:$0x3FFB];
	_ =	sdelay $0x3  }
0x98: {  	_ =	strace s5  }
0x99: {  	s5 =	sld [smem:$0x3FFC];
	_ =	sdelay $0x3  }
0x9a: {  	_ =	strace s5  }
0x9b: {  	s5 =	sld [smem:$0x3FFD];
	_ =	sdelay $0x3  }
0x9c: {  	_ =	strace s5  }
0x9d: {  	_ =	strace $0x8FFFFFFF  }
0x9e: {  	s19 =	sld [smem:$0x3FDB];
	_ =	sdelay $0x1  }
0x9f: {  	s6 =	simm.s32 $_scs_section_size  }
0xa0: {  	s7 =	simm.s32 $_size__tile_overlayer_lowered;
	s8 =	simm.s32 $_tile_overlayer_lowered  }
0xa1: {  	s22 =	simm.s32 $0x1BFF;
	s21 =	sshll.u32 s8, $0x1;
	s5 =	sadd.s32 s6, s19  }
0xa2: {  	s9 =	simm.s32 $0x0;
	s20 =	sshll.u32 s7, $0x1;
	s7 =	sadd.s32 s21, s5  }
0xa3: {  	[timem:s9], [sflag:s22] =	dma.local [hbm:s7], s20  }
0xa4: {  	_ =	swait.ge [sflag:s22], s20  }
0xa5: {  	s6 =	ssub.s32 $0x0, s20;
	[sflag:s22] =	ssyncset.done $0x0  }
0xa6: {  	[sflag:s22] =	ssyncadd.s32 s6;
	_ =	sdelay $0x1  }
0xa7: {  	s23 =	simm.s32 $0x1B8B  }
0xa8: {  	_ =	swait.ge [sflag:s23], $0x1  }
0xa9: {  	[sflag:s23] =	ssyncset.done $0x0  }
0xaa: {  	s25 =	simm.s32 $0x1B8E;
	s24 =	sld [smem:$0x3FFE];
	[sflag:s23] =	ssyncadd.s32 $0xFFFFFFFF  }
0xab: {  	s26 =	simm.s32 $execute0_lowered;
	[smem:$0x3FD2] =	sst s25  }
0xac: {  	s7 =	sshll.u32 s26, $0x1;
	_ =	strace $0x80000046;
	[dreg:$0x1] =	wrdreg $0xFFFFFFFF  }
0xad: {  	s28 =	simm.s32 $_size_execute0_lowered;
	s5 =	sadd.s32 s5, s7;
	[dreg:$0x0] =	wrdreg $0x0  }
0xae: {  	s7 =	sshll.u32 s28, $0x1;
	[dreg:$0x2] =	wrdreg s5  }
0xaf: {  	[dreg:$0x3] =	wrdreg s7  }
0xb0: {  	[dreg:$0x4] =	wrdreg $0xC0  }
0xb1: {  	_ =	task [dreg:s9], $0x5FFFF  }
0xb2: {  	[dreg:$0x1] =	wrdreg $0xFFFFFFFF  }
0xb3: {  	[dreg:$0x0] =	wrdreg $0x60  }
0xb4: {  	[dreg:$0x2] =	wrdreg s24  }
0xb5: {  	[dreg:$0x3] =	wrdreg s16  }
0xb6: {  	[dreg:$0x4] =	wrdreg s17  }
0xb7: {  	[dreg:$0x5] =	wrdreg s18  }
0xb8: {  	[dreg:$0x6] =	wrdreg $0x0  }
0xb9: {  	[dreg:$0x7] =	wrdreg $0x50000  }
0xba: {  	[dreg:$0x8] =	wrdreg $0xA0000  }
0xbb: {  	[dreg:$0x9] =	wrdreg $0x9  }
0xbc: {  	_ =	task.clear_ibuf [dreg:s9], $0xAFFFF;
	_ =	strace $0x90000046  }
0xbd: {  	s29 =	simm.s32 $0x9;
	_ =	strace $0x80000048  }
0xbe: {  	_ =	swait.ge [sflag:s29], $0x1  }
0xbf: {  	[sflag:s29] =	ssyncadd.s32 $0xFFFFFFFF  }
0xc0: {  	_ =	strace $0x90000048  }
0xc1: {  	_ =	sfence  }
0xc2: {  	s30 =	sld [smem:$0x0];
	_ =	sdelay $0x2  }
0xc3: {  	s31 =	sshll.u32 s1, $0xD;
	s1 =	sshrl.u32 s1, $0x2  }
0xc4: {  	s3 =	sand.u32 $0x4000, s31;
	s1 =	sadd.s32 s1, s30  }
0xc5: {  	s0 =	sor.u32 s3, s0;
	s1 =	sshll.u32 s1, $0x11  }
0xc6: {  	s0 =	sor.u32 s1, s0  }
0xc7: {  	s0 =	sadd.s32 $0x8F2B, s0  }
0xc8: {  	[sflag:s0] =	ssyncadd.remote.s32 $0x1  }
0xc9: {  	_ =	sfence.sel $0xFFFF  }
0xca: {  	[dreg:$0x0] =	wrdreg $0xFFFFFFFF;
	(pc) =	sbr.abs _section_cstart, $3  }
0xcb: {  	[dreg:$0x1] =	wrdreg $0xFFFFFFFF  }
0xcc: {  	_ =	task.clear_ibuf [dreg:s9], $0x2FFFF;
	_ =	strace $0x9FFFFFFF  }
0xcd: {  	(tm) =	ssettm $0x7FFFFFFF  }
tec
execute0_lowered:
.L_overlay_start_1:
0x0: {  	(tag) =	ssettag $0x1  }
0x1: {  	s1 =	rddreg [dreg:$0x0]  }
0x2: {  	s2 =	rddreg [dreg:$0x1]  }
0x3: {  	s3 =	rddreg [dreg:$0x4]  }
0x4: {  	s5 =	rddreg [dreg:$0x5];
	s0 =	srdreg.scid  }
0x5: {  	s17 =	stileid.u32;
	s6 =	rddreg [dreg:$0x6]  }
0x6: {  	s7 =	simm.s32 $0x0;
	s18 =	simm.s32 $0xAA50;
	s28 =	simm.s32 $0xAD20  }
0x7: {  	s29 =	simm.s32 $0x50;
	s30 =	simm.s32 $0xB040;
	s4 =	smul.u32 $0x14000, s17  }
0x8: {  	s31 =	simm.s32 $0xBA40;
	s0 =	sand.u32 $0x1, s0;
	s19 =	smul.u32 $0x9C4, s17  }
0x9: {  	[smem:$0x7FF] =	sst s7;
	s11 =	smul.u32 $0x2800, s17;
	s12 =	sadd.s32 $0x28E00, s1  }
0xa: {  	s13 =	smul.u32 $0xA000, s17;
	s14 =	sadd.s32 $0x2A200, s1;
	s21 =	sshll.u32 s17, $0x6  }
0xb: {  	s17 =	smul.u32 $0x50, s17;
	s8 =	sshll.u32 s0, $0x6;
	_ =	strace $0x80000047  }
0xc: {  	[dreg:$0x10] =	wrdreg s12;
	s20 =	ssub.s32 $0x2, s0;
	s22 =	sor.u32 $0x1C06, s21  }
0xd: {  	[dreg:$0xa] =	wrdreg s18;
	p0 =	sne.s32 s0, $0x0;
	s0 =	simm.s32 $0xAD70  }
0xe: {  	s4 =	sor.u32 s8, s4;
	s8 =	sadd.s32 s19, s1;
	s15 =	sshrl.u32 s11, $0x4  }
0xf: {  	s16 =	sshrl.u32 s20, $0x1;
	s13 =	sshrl.u32 s13, $0x1;
	[dreg:$0x12] =	wrdreg s22  }
0x10: {  	s23 =	sshrl.u32 s11, $0x1;
	s2 =	sadd.s32 s2, s17;
	s19 =	simm.s32 $0xAAA0  }
0x11: {  	s22 =	simm.s32 $0xAB40;
	s9 =	sshrl.u32 s4, $0x4;
	s12 =	ssub.s32 s20, s16  }
0x12: {  	s11 =	sadd.s32 s13, s5;
	[dreg:$0x13] =	wrdreg s2;
	s25 =	sadd.s32 $0x5000, s4  }
0x13: {  	s16 =	sadd.s32 $0xB000, s8;
	s17 =	sadd.s32 $0xF000, s4;
	[dreg:$0xb] =	wrdreg s19  }
0x14: {  	s20 =	simm.s32 $0xAAF0;
	s19 =	simm.s32 $0x1;
	[dreg:$0xd] =	wrdreg s22  }
0x15: {  	s22 =	simm.s32 $0x6;
	s10 =	sadd.s32 s9, s1;
	s1 =	sadd.s32 s15, s1  }
0x16: {  	s15 =	sadd.s32 s13, s3;
	s24 =	smax.u32 s12, $0x1;
	s26 =	sadd.s32 s14, s9  }
0x17: {  	s9 =	sadd.s32 $0xA000, s4;
	s13 =	sadd.s32 $0x1200, s8;
	[dreg:$0x9] =	wrdreg s16  }
0x18: {  	s2 =	sshrl.u32 s17, $0x4;
	[dreg:$0xc] =	wrdreg s20;
	s20 =	simm.s32 $0x4  }
0x19: {  	s4 =	simm.s32 $0x2;
	s8 =	simm.s32 $0xAE10;
	[dreg:$0x15] =	wrdreg s24  }
0x1a: {  	s16 =	simm.s32 $0xACD0;
	s17 =	simm.s32 $0xAFA0;
	[dreg:$0x16] =	wrdreg s26  }
0x1b: {  	s10 =	sadd.s32 $0x14E00, s10;
	s1 =	sadd.s32 $0x3E200, s1;
	[dreg:$0x8] =	wrdreg s13  }
0x1c: {  	s12 =	sshrl.u32 s9, $0x4;
	s2 =	sadd.s32 s14, s2;
	[dreg:$0x11] =	wrdreg s10  }
0x1d: {  	s21 =	sshrl.u32 s15, $0x3;
	s24 =	simm.s32 $0xABE0;
	[dreg:$0x14] =	wrdreg s1  }
0x1e: {  	s9 =	simm.s32 $0xAE60;
	s13 =	simm.s32 $0xAF00;
	[dreg:$0x19] =	wrdreg s2  }
0x1f: {  	s15 =	simm.s32 $0xAF50;
	s10 =	sadd.s32 s23, s6;
	[dreg:$0x1a] =	wrdreg s21  }
0x20: {  	s1 =	sshrl.u32 s25, $0x4;
	s23 =	simm.s32 $0xAB90;
	[dreg:$0xf] =	wrdreg s24  }
0x21: {  	s25 =	sshrl.u32 s11, $0x3;
	s2 =	simm.s32 $0xADC0;
	s11 =	simm.s32 $0xAEB0  }
0x22: {  	s21 =	simm.s32 $0xAFF0;
	s1 =	sadd.s32 s14, s1;
	[dreg:$0xe] =	wrdreg s23  }
0x23: {  	[dreg:$0x1b] =	wrdreg s25;
	s26 =	sshrl.u32 s10, $0x3;
	s25 =	simm.s32 $0xC440  }
0x24: {  	s23 =	simm.s32 $0x0;
	[dreg:$0x17] =	wrdreg s1;
	s1 =	sadd.s32 s14, s12  }
0x25: {  	[dreg:$0x1c] =	wrdreg s26;
	s26 =	simm.s32 $0xAA00;
	s12 =	simm.s32 $0xAC30  }
0x26: {  	s14 =	simm.s32 $0xAC80;
	[dreg:$0x18] =	wrdreg s1;
	s1 =	simm.s32 $0x3  }
.LBB2_1:
0x27: {  	[dreg:$0x1d] =	wrdreg s23  }
0x28: {  	s10 =	rddreg [dreg:$0x11]  }
0x29: {  	s18 =	rddreg [dreg:$0x12]  }
0x2a: {  	s23 =	rddreg [dreg:$0x1a];
	s24 =	simm.s32 $0x8  }
0x2b: {  	[spmem:s23@s20], [sflag:s18] =	dma.strided [hbm:s10@s24], $0xA00, s19, $0x4   }
0x2c: {  	_ =	swait.ge [sflag:s22], $0xA00  }
0x2d: {  	[sflag:s22] =	ssyncset.done $0x0;
	s10 =	rddreg [dreg:$0x10]  }
0x2e: {  	s23 =	rddreg [dreg:$0x1b];
	[sflag:s22] =	ssyncadd.s32 $0xFFFFF600  }
0x2f: {  	[spmem:s23@s20], [sflag:s18] =	dma.strided [hbm:s10@s24], $0xA00, s19, $0x4   }
0x30: {  	_ =	swait.ge [sflag:s22], $0xA00  }
0x31: {  	[sflag:s22] =	ssyncset.done $0x0  }
0x32: {  	s24 =	rddreg [dreg:$0x1c];
	[sflag:s22] =	ssyncadd.s32 $0xFFFFF600  }
0x33: {  	s23 =	rddreg [dreg:$0x2]  }
0x34: {  	[spmem:s24], [sflag:s18] =	dma.local [hbm:s23], $0x280  }
0x35: {  	_ =	swait.ge [sflag:s22], $0x280  }
0x36: {  	[sflag:s22] =	ssyncset.done $0x0  }
0x37: {  	[sflag:s22] =	ssyncadd.s32 $0xFFFFFD80  }
0x38: {  	s18 =	rddreg [dreg:$0x3]  }
0x39: {  	[tilespmem:s25], [sflag:$0x6] =	stream.linear.gather [hbm4b:s18+s7], $0x280, $0x38;
	[tilespmem:$0xF140] =	vst v63  }
0x3a: {  	_ =	swait.ge [sflag:s22], $0x280  }
0x3b: {  	[sflag:s22] =	ssyncset.done $0x0  }
0x3c: {  	[sflag:s22] =	ssyncadd.s32 $0xFFFFFD80  }
0x3d: {  	[bflag:$0x0] =	sbarrier.arrive $0xFFFF  }
0x3e: {  	s23 =	rddreg [dreg:$0x9]  }
0x3f: {  	s10 =	sadd.s32 $0x0, s23  }
0x40: {  	[tilespmem:s26], [sflag:$0x6] =	stream.linear.gather [hbm4b:s10+s7], $0x320, $0x38;
	[tilespmem:$0xF140] =	vst v63  }
0x41: {  	_ =	swait.ge [sflag:s22], $0x320  }
0x42: {  	s24 =	rddreg [dreg:$0x8];
	[sflag:s22] =	ssyncset.done $0x0  }
0x43: {  	[sflag:s22] =	ssyncadd.s32 $0xFFFFFCE0;
	s10 =	sadd.s32 $0x0, s24  }
0x44: {  	[tilespmem:s28], [sflag:$0x6] =	stream.linear.gather [hbm4b:s10+s7], $0x320, $0x38;
	[tilespmem:$0xF140] =	vst v63  }
0x45: {  	_ =	swait.ge [sflag:s22], $0x320  }
0x46: {  	[sflag:s22] =	ssyncset.done $0x0  }
0x47: {  	[sflag:s22] =	ssyncadd.s32 $0xFFFFFCE0  }
0x48: {  	[tilespmem:s30], [sflag:$0x1] =	stream.indirect.gather [spmem:s3], $0x20, s26, s29, $0xb8;
	[tilespmem:$0xF140] =	vst v63  }
0x49: {  	_ =	swait.ge [sflag:s19], $0xA00  }
0x4a: {  	[sflag:s19] =	ssyncset.done $0x0  }
0x4b: {  	s18 =	rddreg [dreg:$0xa];
	[sflag:s19] =	ssyncadd.s32 $0xFFFFF600  }
0x4c: {  	[tilespmem:s31], [sflag:$0x2] =	stream.indirect.gather [spmem:s3], $0x20, s18, s29, $0xb8;
	[tilespmem:$0xF140] =	vst v63  }
0x4d: {  	_ = 	snop  }
0x4e: {  	[spmem:s5] =	stream.indirect.scatter.add.bf16 [tilespmem:s30], [sflag:$0x3], $0x20, s28, s29, $0xb8;
	[tilespmem:$0xF140] =	vst v63  }
0x4f: {  	_ = 	snop  }
0x50: {  	[spmem:s6] =	stream.indirect.scatter.add.bf16 [tilespmem:s25], [sflag:$0x6], $0x4, s28, s29, $0xb8;
	[tilespmem:$0xF140] =	vst v63  }
0x51: {  	_ =	swait.ge [sflag:s22], $0x140  }
0x52: {  	[sflag:s22] =	ssyncset.done $0x0  }
0x53: {  	[sflag:s22] =	ssyncadd.s32 $0xFFFFFEC0  }
0x54: {  	_ =	swait.ge [sflag:s4], $0xA00  }
0x55: {  	[sflag:s4] =	ssyncset.done $0x0  }
0x56: {  	[sflag:s4] =	ssyncadd.s32 $0xFFFFF600  }
0x57: {  	_ =	swait.ge [sflag:s1], $0xA00  }
0x58: {  	[sflag:s1] =	ssyncset.done $0x0  }
0x59: {  	s23 =	rddreg [dreg:$0xb];
	[sflag:s1] =	ssyncadd.s32 $0xFFFFF600  }
0x5a: {  	[tilespmem:s30], [sflag:$0x1] =	stream.indirect.gather [spmem:s3], $0x20, s23, s29, $0xb8;
	[tilespmem:$0xF140] =	vst v63  }
0x5b: {  	_ = 	snop  }
0x5c: {  	[spmem:s5] =	stream.indirect.scatter.add.bf16 [tilespmem:s31], [sflag:$0x4], $0x20, s0, s29, $0xb8;
	[tilespmem:$0xF140] =	vst v63  }
0x5d: {  	_ = 	snop  }
0x5e: {  	[spmem:s6] =	stream.indirect.scatter.add.bf16 [tilespmem:s25], [sflag:$0x6], $0x4, s0, s29, $0xb8;
	[tilespmem:$0xF140] =	vst v63  }
0x5f: {  	_ =	swait.ge [sflag:s22], $0x140  }
0x60: {  	[sflag:s22] =	ssyncset.done $0x0  }
0x61: {  	[sflag:s22] =	ssyncadd.s32 $0xFFFFFEC0  }
0x62: {  	_ =	swait.ge [sflag:s20], $0xA00  }
0x63: {  	[sflag:s20] =	ssyncset.done $0x0  }
0x64: {  	[sflag:s20] =	ssyncadd.s32 $0xFFFFF600  }
0x65: {  	_ =	swait.ge [sflag:s19], $0xA00  }
0x66: {  	[sflag:s19] =	ssyncset.done $0x0  }
0x67: {  	s24 =	rddreg [dreg:$0xc];
	[sflag:s19] =	ssyncadd.s32 $0xFFFFF600  }
0x68: {  	[tilespmem:s31], [sflag:$0x2] =	stream.indirect.gather [spmem:s3], $0x20, s24, s29, $0xb8;
	[tilespmem:$0xF140] =	vst v63  }
0x69: {  	_ = 	snop  }
0x6a: {  	[spmem:s5] =	stream.indirect.scatter.add.bf16 [tilespmem:s30], [sflag:$0x3], $0x20, s2, s29, $0xb8;
	[tilespmem:$0xF140] =	vst v63  }
0x6b: {  	_ = 	snop  }
0x6c: {  	[spmem:s6] =	stream.indirect.scatter.add.bf16 [tilespmem:s25], [sflag:$0x6], $0x4, s2, s29, $0xb8;
	[tilespmem:$0xF140] =	vst v63  }
0x6d: {  	_ =	swait.ge [sflag:s22], $0x140  }
0x6e: {  	[sflag:s22] =	ssyncset.done $0x0  }
0x6f: {  	[sflag:s22] =	ssyncadd.s32 $0xFFFFFEC0  }
0x70: {  	_ =	swait.ge [sflag:s4], $0xA00  }
0x71: {  	[sflag:s4] =	ssyncset.done $0x0  }
0x72: {  	[sflag:s4] =	ssyncadd.s32 $0xFFFFF600  }
0x73: {  	_ =	swait.ge [sflag:s1], $0xA00  }
0x74: {  	[sflag:s1] =	ssyncset.done $0x0  }
0x75: {  	s18 =	rddreg [dreg:$0xd];
	[sflag:s1] =	ssyncadd.s32 $0xFFFFF600  }
0x76: {  	[tilespmem:s30], [sflag:$0x1] =	stream.indirect.gather [spmem:s3], $0x20, s18, s29, $0xb8;
	[tilespmem:$0xF140] =	vst v63  }
0x77: {  	_ = 	snop  }
0x78: {  	[spmem:s5] =	stream.indirect.scatter.add.bf16 [tilespmem:s31], [sflag:$0x4], $0x20, s8, s29, $0xb8;
	[tilespmem:$0xF140] =	vst v63  }
0x79: {  	_ = 	snop  }
0x7a: {  	[spmem:s6] =	stream.indirect.scatter.add.bf16 [tilespmem:s25], [sflag:$0x6], $0x4, s8, s29, $0xb8;
	[tilespmem:$0xF140] =	vst v63  }
0x7b: {  	_ =	swait.ge [sflag:s22], $0x140  }
0x7c: {  	[sflag:s22] =	ssyncset.done $0x0  }
0x7d: {  	[sflag:s22] =	ssyncadd.s32 $0xFFFFFEC0  }
0x7e: {  	_ =	swait.ge [sflag:s20], $0xA00  }
0x7f: {  	[sflag:s20] =	ssyncset.done $0x0  }
0x80: {  	[sflag:s20] =	ssyncadd.s32 $0xFFFFF600  }
0x81: {  	_ =	swait.ge [sflag:s19], $0xA00  }
0x82: {  	[sflag:s19] =	ssyncset.done $0x0  }
0x83: {  	s23 =	rddreg [dreg:$0xe];
	[sflag:s19] =	ssyncadd.s32 $0xFFFFF600  }
0x84: {  	[tilespmem:s31], [sflag:$0x2] =	stream.indirect.gather [spmem:s3], $0x20, s23, s29, $0xb8;
	[tilespmem:$0xF140] =	vst v63  }
0x85: {  	_ = 	snop  }
0x86: {  	[spmem:s5] =	stream.indirect.scatter.add.bf16 [tilespmem:s30], [sflag:$0x3], $0x20, s9, s29, $0xb8;
	[tilespmem:$0xF140] =	vst v63  }
0x87: {  	_ = 	snop  }
0x88: {  	[spmem:s6] =	stream.indirect.scatter.add.bf16 [tilespmem:s25], [sflag:$0x6], $0x4, s9, s29, $0xb8;
	[tilespmem:$0xF140] =	vst v63  }
0x89: {  	_ =	swait.ge [sflag:s22], $0x140  }
0x8a: {  	[sflag:s22] =	ssyncset.done $0x0  }
0x8b: {  	[sflag:s22] =	ssyncadd.s32 $0xFFFFFEC0  }
0x8c: {  	_ =	swait.ge [sflag:s4], $0xA00  }
0x8d: {  	[sflag:s4] =	ssyncset.done $0x0  }
0x8e: {  	[sflag:s4] =	ssyncadd.s32 $0xFFFFF600  }
0x8f: {  	_ =	swait.ge [sflag:s1], $0xA00  }
0x90: {  	[sflag:s1] =	ssyncset.done $0x0  }
0x91: {  	s24 =	rddreg [dreg:$0xf];
	[sflag:s1] =	ssyncadd.s32 $0xFFFFF600  }
0x92: {  	[tilespmem:s30], [sflag:$0x1] =	stream.indirect.gather [spmem:s3], $0x20, s24, s29, $0xb8;
	[tilespmem:$0xF140] =	vst v63  }
0x93: {  	_ = 	snop  }
0x94: {  	[spmem:s5] =	stream.indirect.scatter.add.bf16 [tilespmem:s31], [sflag:$0x4], $0x20, s11, s29, $0xb8;
	[tilespmem:$0xF140] =	vst v63  }
0x95: {  	_ = 	snop  }
0x96: {  	[spmem:s6] =	stream.indirect.scatter.add.bf16 [tilespmem:s25], [sflag:$0x6], $0x4, s11, s29, $0xb8;
	[tilespmem:$0xF140] =	vst v63  }
0x97: {  	_ =	swait.ge [sflag:s22], $0x140  }
0x98: {  	[sflag:s22] =	ssyncset.done $0x0  }
0x99: {  	[sflag:s22] =	ssyncadd.s32 $0xFFFFFEC0  }
0x9a: {  	_ =	swait.ge [sflag:s20], $0xA00  }
0x9b: {  	[sflag:s20] =	ssyncset.done $0x0  }
0x9c: {  	[sflag:s20] =	ssyncadd.s32 $0xFFFFF600  }
0x9d: {  	_ =	swait.ge [sflag:s19], $0xA00  }
0x9e: {  	[sflag:s19] =	ssyncset.done $0x0  }
0x9f: {  	[sflag:s19] =	ssyncadd.s32 $0xFFFFF600  }
0xa0: {  	[tilespmem:s31], [sflag:$0x2] =	stream.indirect.gather [spmem:s3], $0x20, s12, s29, $0xb8;
	[tilespmem:$0xF140] =	vst v63  }
0xa1: {  	_ = 	snop  }
0xa2: {  	[spmem:s5] =	stream.indirect.scatter.add.bf16 [tilespmem:s30], [sflag:$0x3], $0x20, s13, s29, $0xb8;
	[tilespmem:$0xF140] =	vst v63  }
0xa3: {  	_ = 	snop  }
0xa4: {  	[spmem:s6] =	stream.indirect.scatter.add.bf16 [tilespmem:s25], [sflag:$0x6], $0x4, s13, s29, $0xb8;
	[tilespmem:$0xF140] =	vst v63  }
0xa5: {  	_ =	swait.ge [sflag:s22], $0x140  }
0xa6: {  	[sflag:s22] =	ssyncset.done $0x0  }
0xa7: {  	[sflag:s22] =	ssyncadd.s32 $0xFFFFFEC0  }
0xa8: {  	_ =	swait.ge [sflag:s4], $0xA00  }
0xa9: {  	[sflag:s4] =	ssyncset.done $0x0  }
0xaa: {  	[sflag:s4] =	ssyncadd.s32 $0xFFFFF600  }
0xab: {  	_ =	swait.ge [sflag:s1], $0xA00  }
0xac: {  	[sflag:s1] =	ssyncset.done $0x0  }
0xad: {  	[sflag:s1] =	ssyncadd.s32 $0xFFFFF600  }
0xae: {  	[tilespmem:s30], [sflag:$0x1] =	stream.indirect.gather [spmem:s3], $0x20, s14, s29, $0xb8;
	[tilespmem:$0xF140] =	vst v63  }
0xaf: {  	_ = 	snop  }
0xb0: {  	[spmem:s5] =	stream.indirect.scatter.add.bf16 [tilespmem:s31], [sflag:$0x4], $0x20, s15, s29, $0xb8;
	[tilespmem:$0xF140] =	vst v63  }
0xb1: {  	_ = 	snop  }
0xb2: {  	[spmem:s6] =	stream.indirect.scatter.add.bf16 [tilespmem:s25], [sflag:$0x6], $0x4, s15, s29, $0xb8;
	[tilespmem:$0xF140] =	vst v63  }
0xb3: {  	_ =	swait.ge [sflag:s22], $0x140  }
0xb4: {  	[sflag:s22] =	ssyncset.done $0x0  }
0xb5: {  	[sflag:s22] =	ssyncadd.s32 $0xFFFFFEC0  }
0xb6: {  	_ =	swait.ge [sflag:s20], $0xA00  }
0xb7: {  	[sflag:s20] =	ssyncset.done $0x0  }
0xb8: {  	[sflag:s20] =	ssyncadd.s32 $0xFFFFF600  }
0xb9: {  	_ =	swait.ge [sflag:s19], $0xA00  }
0xba: {  	[sflag:s19] =	ssyncset.done $0x0  }
0xbb: {  	[sflag:s19] =	ssyncadd.s32 $0xFFFFF600  }
0xbc: {  	[tilespmem:s31], [sflag:$0x2] =	stream.indirect.gather [spmem:s3], $0x20, s16, s29, $0xb8;
	[tilespmem:$0xF140] =	vst v63  }
0xbd: {  	_ = 	snop  }
0xbe: {  	[spmem:s5] =	stream.indirect.scatter.add.bf16 [tilespmem:s30], [sflag:$0x3], $0x20, s17, s29, $0xb8;
	[tilespmem:$0xF140] =	vst v63  }
0xbf: {  	_ = 	snop  }
0xc0: {  	[spmem:s6] =	stream.indirect.scatter.add.bf16 [tilespmem:s25], [sflag:$0x6], $0x4, s17, s29, $0xb8;
	[tilespmem:$0xF140] =	vst v63  }
0xc1: {  	_ =	swait.ge [sflag:s22], $0x140  }
0xc2: {  	[sflag:s22] =	ssyncset.done $0x0  }
0xc3: {  	[sflag:s22] =	ssyncadd.s32 $0xFFFFFEC0  }
0xc4: {  	_ =	swait.ge [sflag:s4], $0xA00  }
0xc5: {  	[sflag:s4] =	ssyncset.done $0x0  }
0xc6: {  	[sflag:s4] =	ssyncadd.s32 $0xFFFFF600  }
0xc7: {  	_ =	swait.ge [sflag:s1], $0xA00  }
0xc8: {  	[sflag:s1] =	ssyncset.done $0x0  }
0xc9: {  	[sflag:s1] =	ssyncadd.s32 $0xFFFFF600  }
0xca: {  	[spmem:s5] =	stream.indirect.scatter.add.bf16 [tilespmem:s31], [sflag:$0x4], $0x20, s21, s29, $0xb8;
	[tilespmem:$0xF140] =	vst v63  }
0xcb: {  	_ = 	snop  }
0xcc: {  	[spmem:s6] =	stream.indirect.scatter.add.bf16 [tilespmem:s25], [sflag:$0x6], $0x4, s21, s29, $0xb8;
	[tilespmem:$0xF140] =	vst v63  }
0xcd: {  	_ =	swait.ge [sflag:s22], $0x140  }
0xce: {  	[sflag:s22] =	ssyncset.done $0x0  }
0xcf: {  	[sflag:s22] =	ssyncadd.s32 $0xFFFFFEC0  }
0xd0: {  	s10 =	simm.s32 $0x64;
	_ =	swait.ge [sflag:s20], $0xA00  }
0xd1: {  	s24 =	simm.s32 $0xC8;
	s18 =	rddreg [dreg:$0x9];
	[sflag:s20] =	ssyncset.done $0x0  }
.LBB2_2:
0xd2: {  	[sflag:s20] =	ssyncadd.s32 $0xFFFFF600;
	s18 =	sadd.s32 s10, s18  }
0xd3: {  	[tilespmem:s26], [sflag:$0x6] =	stream.linear.gather [hbm4b:s18+s7], $0x320, $0x38;
	[tilespmem:$0xF140] =	vst v63  }
0xd4: {  	_ =	swait.ge [sflag:s22], $0x320  }
0xd5: {  	s18 =	rddreg [dreg:$0x8];
	[sflag:s22] =	ssyncset.done $0x0  }
0xd6: {  	[sflag:s22] =	ssyncadd.s32 $0xFFFFFCE0;
	s18 =	sadd.s32 s10, s18  }
0xd7: {  	[tilespmem:s28], [sflag:$0x6] =	stream.linear.gather [hbm4b:s18+s7], $0x320, $0x38;
	[tilespmem:$0xF140] =	vst v63  }
0xd8: {  	_ =	swait.ge [sflag:s22], $0x320  }
0xd9: {  	[sflag:s22] =	ssyncset.done $0x0  }
0xda: {  	[sflag:s22] =	ssyncadd.s32 $0xFFFFFCE0  }
0xdb: {  	[tilespmem:s30], [sflag:$0x1] =	stream.indirect.gather [spmem:s3], $0x20, s26, s29, $0xb8;
	[tilespmem:$0xF140] =	vst v63  }
0xdc: {  	_ =	swait.ge [sflag:s19], $0xA00  }
0xdd: {  	s23 =	smov.u32 s24;
	[sflag:s19] =	ssyncset.done $0x0  }
0xde: {  	s10 =	smov.u32 s23;
	s23 =	rddreg [dreg:$0xa];
	[sflag:s19] =	ssyncadd.s32 $0xFFFFF600  }
0xdf: {  	[tilespmem:s31], [sflag:$0x2] =	stream.indirect.gather [spmem:s3], $0x20, s23, s29, $0xb8;
	[tilespmem:$0xF140] =	vst v63  }
0xe0: {  	_ = 	snop  }
0xe1: {  	[spmem:s5] =	stream.indirect.scatter.add.bf16 [tilespmem:s30], [sflag:$0x3], $0x20, s28, s29, $0xb8;
	[tilespmem:$0xF140] =	vst v63  }
0xe2: {  	_ = 	snop  }
0xe3: {  	[spmem:s6] =	stream.indirect.scatter.add.bf16 [tilespmem:s25], [sflag:$0x6], $0x4, s28, s29, $0xb8;
	[tilespmem:$0xF140] =	vst v63  }
0xe4: {  	_ =	swait.ge [sflag:s22], $0x140  }
0xe5: {  	[sflag:s22] =	ssyncset.done $0x0  }
0xe6: {  	[sflag:s22] =	ssyncadd.s32 $0xFFFFFEC0  }
0xe7: {  	_ =	swait.ge [sflag:s4], $0xA00  }
0xe8: {  	[sflag:s4] =	ssyncset.done $0x0  }
0xe9: {  	[sflag:s4] =	ssyncadd.s32 $0xFFFFF600  }
0xea: {  	_ =	swait.ge [sflag:s1], $0xA00  }
0xeb: {  	[sflag:s1] =	ssyncset.done $0x0  }
0xec: {  	s23 =	rddreg [dreg:$0xb];
	[sflag:s1] =	ssyncadd.s32 $0xFFFFF600  }
0xed: {  	[tilespmem:s30], [sflag:$0x1] =	stream.indirect.gather [spmem:s3], $0x20, s23, s29, $0xb8;
	[tilespmem:$0xF140] =	vst v63  }
0xee: {  	_ = 	snop  }
0xef: {  	[spmem:s5] =	stream.indirect.scatter.add.bf16 [tilespmem:s31], [sflag:$0x4], $0x20, s0, s29, $0xb8;
	[tilespmem:$0xF140] =	vst v63  }
0xf0: {  	_ = 	snop  }
0xf1: {  	[spmem:s6] =	stream.indirect.scatter.add.bf16 [tilespmem:s25], [sflag:$0x6], $0x4, s0, s29, $0xb8;
	[tilespmem:$0xF140] =	vst v63  }
0xf2: {  	_ =	swait.ge [sflag:s22], $0x140  }
0xf3: {  	[sflag:s22] =	ssyncset.done $0x0  }
0xf4: {  	[sflag:s22] =	ssyncadd.s32 $0xFFFFFEC0  }
0xf5: {  	_ =	swait.ge [sflag:s20], $0xA00  }
0xf6: {  	[sflag:s20] =	ssyncset.done $0x0  }
0xf7: {  	[sflag:s20] =	ssyncadd.s32 $0xFFFFF600  }
0xf8: {  	_ =	swait.ge [sflag:s19], $0xA00  }
0xf9: {  	[sflag:s19] =	ssyncset.done $0x0  }
0xfa: {  	s23 =	rddreg [dreg:$0xc];
	[sflag:s19] =	ssyncadd.s32 $0xFFFFF600  }
0xfb: {  	[tilespmem:s31], [sflag:$0x2] =	stream.indirect.gather [spmem:s3], $0x20, s23, s29, $0xb8;
	[tilespmem:$0xF140] =	vst v63  }
0xfc: {  	_ = 	snop  }
0xfd: {  	[spmem:s5] =	stream.indirect.scatter.add.bf16 [tilespmem:s30], [sflag:$0x3], $0x20, s2, s29, $0xb8;
	[tilespmem:$0xF140] =	vst v63  }
0xfe: {  	_ = 	snop  }
0xff: {  	[spmem:s6] =	stream.indirect.scatter.add.bf16 [tilespmem:s25], [sflag:$0x6], $0x4, s2, s29, $0xb8;
	[tilespmem:$0xF140] =	vst v63  }
0x100: {  	_ =	swait.ge [sflag:s22], $0x140  }
0x101: {  	[sflag:s22] =	ssyncset.done $0x0  }
0x102: {  	[sflag:s22] =	ssyncadd.s32 $0xFFFFFEC0  }
0x103: {  	_ =	swait.ge [sflag:s4], $0xA00  }
0x104: {  	[sflag:s4] =	ssyncset.done $0x0  }
0x105: {  	[sflag:s4] =	ssyncadd.s32 $0xFFFFF600  }
0x106: {  	_ =	swait.ge [sflag:s1], $0xA00  }
0x107: {  	[sflag:s1] =	ssyncset.done $0x0  }
0x108: {  	s23 =	rddreg [dreg:$0xd];
	[sflag:s1] =	ssyncadd.s32 $0xFFFFF600  }
0x109: {  	[tilespmem:s30], [sflag:$0x1] =	stream.indirect.gather [spmem:s3], $0x20, s23, s29, $0xb8;
	[tilespmem:$0xF140] =	vst v63  }
0x10a: {  	_ = 	snop  }
0x10b: {  	[spmem:s5] =	stream.indirect.scatter.add.bf16 [tilespmem:s31], [sflag:$0x4], $0x20, s8, s29, $0xb8;
	[tilespmem:$0xF140] =	vst v63  }
0x10c: {  	_ = 	snop  }
0x10d: {  	[spmem:s6] =	stream.indirect.scatter.add.bf16 [tilespmem:s25], [sflag:$0x6], $0x4, s8, s29, $0xb8;
	[tilespmem:$0xF140] =	vst v63  }
0x10e: {  	_ =	swait.ge [sflag:s22], $0x140  }
0x10f: {  	[sflag:s22] =	ssyncset.done $0x0  }
0x110: {  	[sflag:s22] =	ssyncadd.s32 $0xFFFFFEC0  }
0x111: {  	_ =	swait.ge [sflag:s20], $0xA00  }
0x112: {  	[sflag:s20] =	ssyncset.done $0x0  }
0x113: {  	[sflag:s20] =	ssyncadd.s32 $0xFFFFF600  }
0x114: {  	_ =	swait.ge [sflag:s19], $0xA00  }
0x115: {  	[sflag:s19] =	ssyncset.done $0x0  }
0x116: {  	s23 =	rddreg [dreg:$0xe];
	[sflag:s19] =	ssyncadd.s32 $0xFFFFF600  }
0x117: {  	[tilespmem:s31], [sflag:$0x2] =	stream.indirect.gather [spmem:s3], $0x20, s23, s29, $0xb8;
	[tilespmem:$0xF140] =	vst v63  }
0x118: {  	_ = 	snop  }
0x119: {  	[spmem:s5] =	stream.indirect.scatter.add.bf16 [tilespmem:s30], [sflag:$0x3], $0x20, s9, s29, $0xb8;
	[tilespmem:$0xF140] =	vst v63  }
0x11a: {  	_ = 	snop  }
0x11b: {  	[spmem:s6] =	stream.indirect.scatter.add.bf16 [tilespmem:s25], [sflag:$0x6], $0x4, s9, s29, $0xb8;
	[tilespmem:$0xF140] =	vst v63  }
0x11c: {  	_ =	swait.ge [sflag:s22], $0x140  }
0x11d: {  	[sflag:s22] =	ssyncset.done $0x0  }
0x11e: {  	[sflag:s22] =	ssyncadd.s32 $0xFFFFFEC0  }
0x11f: {  	_ =	swait.ge [sflag:s4], $0xA00  }
0x120: {  	[sflag:s4] =	ssyncset.done $0x0  }
0x121: {  	[sflag:s4] =	ssyncadd.s32 $0xFFFFF600  }
0x122: {  	_ =	swait.ge [sflag:s1], $0xA00  }
0x123: {  	[sflag:s1] =	ssyncset.done $0x0  }
0x124: {  	s23 =	rddreg [dreg:$0xf];
	[sflag:s1] =	ssyncadd.s32 $0xFFFFF600  }
0x125: {  	[tilespmem:s30], [sflag:$0x1] =	stream.indirect.gather [spmem:s3], $0x20, s23, s29, $0xb8;
	[tilespmem:$0xF140] =	vst v63  }
0x126: {  	_ = 	snop  }
0x127: {  	[spmem:s5] =	stream.indirect.scatter.add.bf16 [tilespmem:s31], [sflag:$0x4], $0x20, s11, s29, $0xb8;
	[tilespmem:$0xF140] =	vst v63  }
0x128: {  	_ = 	snop  }
0x129: {  	[spmem:s6] =	stream.indirect.scatter.add.bf16 [tilespmem:s25], [sflag:$0x6], $0x4, s11, s29, $0xb8;
	[tilespmem:$0xF140] =	vst v63  }
0x12a: {  	_ =	swait.ge [sflag:s22], $0x140  }
0x12b: {  	[sflag:s22] =	ssyncset.done $0x0  }
0x12c: {  	[sflag:s22] =	ssyncadd.s32 $0xFFFFFEC0  }
0x12d: {  	_ =	swait.ge [sflag:s20], $0xA00  }
0x12e: {  	[sflag:s20] =	ssyncset.done $0x0  }
0x12f: {  	[sflag:s20] =	ssyncadd.s32 $0xFFFFF600  }
0x130: {  	_ =	swait.ge [sflag:s19], $0xA00  }
0x131: {  	[sflag:s19] =	ssyncset.done $0x0  }
0x132: {  	[sflag:s19] =	ssyncadd.s32 $0xFFFFF600  }
0x133: {  	[tilespmem:s31], [sflag:$0x2] =	stream.indirect.gather [spmem:s3], $0x20, s12, s29, $0xb8;
	[tilespmem:$0xF140] =	vst v63  }
0x134: {  	_ = 	snop  }
0x135: {  	[spmem:s5] =	stream.indirect.scatter.add.bf16 [tilespmem:s30], [sflag:$0x3], $0x20, s13, s29, $0xb8;
	[tilespmem:$0xF140] =	vst v63  }
0x136: {  	_ = 	snop  }
0x137: {  	[spmem:s6] =	stream.indirect.scatter.add.bf16 [tilespmem:s25], [sflag:$0x6], $0x4, s13, s29, $0xb8;
	[tilespmem:$0xF140] =	vst v63  }
0x138: {  	_ =	swait.ge [sflag:s22], $0x140  }
0x139: {  	[sflag:s22] =	ssyncset.done $0x0  }
0x13a: {  	[sflag:s22] =	ssyncadd.s32 $0xFFFFFEC0  }
0x13b: {  	_ =	swait.ge [sflag:s4], $0xA00  }
0x13c: {  	[sflag:s4] =	ssyncset.done $0x0  }
0x13d: {  	[sflag:s4] =	ssyncadd.s32 $0xFFFFF600  }
0x13e: {  	_ =	swait.ge [sflag:s1], $0xA00  }
0x13f: {  	[sflag:s1] =	ssyncset.done $0x0  }
0x140: {  	[sflag:s1] =	ssyncadd.s32 $0xFFFFF600  }
0x141: {  	[tilespmem:s30], [sflag:$0x1] =	stream.indirect.gather [spmem:s3], $0x20, s14, s29, $0xb8;
	[tilespmem:$0xF140] =	vst v63  }
0x142: {  	_ = 	snop  }
0x143: {  	[spmem:s5] =	stream.indirect.scatter.add.bf16 [tilespmem:s31], [sflag:$0x4], $0x20, s15, s29, $0xb8;
	[tilespmem:$0xF140] =	vst v63  }
0x144: {  	_ = 	snop  }
0x145: {  	[spmem:s6] =	stream.indirect.scatter.add.bf16 [tilespmem:s25], [sflag:$0x6], $0x4, s15, s29, $0xb8;
	[tilespmem:$0xF140] =	vst v63  }
0x146: {  	_ =	swait.ge [sflag:s22], $0x140  }
0x147: {  	[sflag:s22] =	ssyncset.done $0x0  }
0x148: {  	[sflag:s22] =	ssyncadd.s32 $0xFFFFFEC0  }
0x149: {  	_ =	swait.ge [sflag:s20], $0xA00  }
0x14a: {  	[sflag:s20] =	ssyncset.done $0x0  }
0x14b: {  	[sflag:s20] =	ssyncadd.s32 $0xFFFFF600  }
0x14c: {  	_ =	swait.ge [sflag:s19], $0xA00  }
0x14d: {  	[sflag:s19] =	ssyncset.done $0x0  }
0x14e: {  	[sflag:s19] =	ssyncadd.s32 $0xFFFFF600  }
0x14f: {  	[tilespmem:s31], [sflag:$0x2] =	stream.indirect.gather [spmem:s3], $0x20, s16, s29, $0xb8;
	[tilespmem:$0xF140] =	vst v63  }
0x150: {  	_ = 	snop  }
0x151: {  	[spmem:s5] =	stream.indirect.scatter.add.bf16 [tilespmem:s30], [sflag:$0x3], $0x20, s17, s29, $0xb8;
	[tilespmem:$0xF140] =	vst v63  }
0x152: {  	_ = 	snop  }
0x153: {  	[spmem:s6] =	stream.indirect.scatter.add.bf16 [tilespmem:s25], [sflag:$0x6], $0x4, s17, s29, $0xb8;
	[tilespmem:$0xF140] =	vst v63  }
0x154: {  	_ =	swait.ge [sflag:s22], $0x140  }
0x155: {  	[sflag:s22] =	ssyncset.done $0x0  }
0x156: {  	[sflag:s22] =	ssyncadd.s32 $0xFFFFFEC0  }
0x157: {  	_ =	swait.ge [sflag:s4], $0xA00  }
0x158: {  	[sflag:s4] =	ssyncset.done $0x0  }
0x159: {  	[sflag:s4] =	ssyncadd.s32 $0xFFFFF600  }
0x15a: {  	_ =	swait.ge [sflag:s1], $0xA00  }
0x15b: {  	[sflag:s1] =	ssyncset.done $0x0  }
0x15c: {  	[sflag:s1] =	ssyncadd.s32 $0xFFFFF600  }
0x15d: {  	[spmem:s5] =	stream.indirect.scatter.add.bf16 [tilespmem:s31], [sflag:$0x4], $0x20, s21, s29, $0xb8;
	[tilespmem:$0xF140] =	vst v63  }
0x15e: {  	p1 =	sne.s32 s24, $0x960  }
0x15f: {  	[spmem:s6] =	stream.indirect.scatter.add.bf16 [tilespmem:s25], [sflag:$0x6], $0x4, s21, s29, $0xb8;
	[tilespmem:$0xF140] =	vst v63  }
.Ltmp0:
0x160: {  	_ =	swait.ge [sflag:s22], $0x140;
	(pc) =	sbr.rel @p1 .LBB2_2-.Ltmp0, $4  }
0x161: {  	[sflag:s22] =	ssyncset.done $0x0  }
0x162: {  	[sflag:s22] =	ssyncadd.s32 $0xFFFFFEC0  }
0x163: {  	_ =	swait.ge [sflag:s20], $0xA00  }
0x164: {  	s24 =	sadd.s32 $0x64, s24;
	s18 =	rddreg [dreg:$0x9];
	[sflag:s20] =	ssyncset.done $0x0  }
0x165: {  	[sflag:s20] =	ssyncadd.s32 $0xFFFFF600;
	s18 =	sadd.s32 s10, s18  }
0x166: {  	[tilespmem:s26], [sflag:$0x6] =	stream.linear.gather [hbm4b:s18+s7], $0x320, $0x38;
	[tilespmem:$0xF140] =	vst v63  }
0x167: {  	_ =	swait.ge [sflag:s22], $0x320  }
0x168: {  	s24 =	rddreg [dreg:$0x8];
	[sflag:s22] =	ssyncset.done $0x0  }
0x169: {  	[sflag:s22] =	ssyncadd.s32 $0xFFFFFCE0;
	s18 =	sadd.s32 s10, s24  }
0x16a: {  	[tilespmem:s28], [sflag:$0x6] =	stream.linear.gather [hbm4b:s18+s7], $0x320, $0x38;
	[tilespmem:$0xF140] =	vst v63  }
0x16b: {  	_ =	swait.ge [sflag:s22], $0x320  }
0x16c: {  	[sflag:s22] =	ssyncset.done $0x0  }
0x16d: {  	[sflag:s22] =	ssyncadd.s32 $0xFFFFFCE0  }
0x16e: {  	[tilespmem:s30], [sflag:$0x1] =	stream.indirect.gather [spmem:s3], $0x20, s26, s29, $0xb8;
	[tilespmem:$0xF140] =	vst v63  }
0x16f: {  	_ =	swait.ge [sflag:s19], $0xA00  }
0x170: {  	[sflag:s19] =	ssyncset.done $0x0  }
0x171: {  	s23 =	rddreg [dreg:$0xa];
	[sflag:s19] =	ssyncadd.s32 $0xFFFFF600  }
0x172: {  	[tilespmem:s31], [sflag:$0x2] =	stream.indirect.gather [spmem:s3], $0x20, s23, s29, $0xb8;
	[tilespmem:$0xF140] =	vst v63  }
0x173: {  	_ = 	snop  }
0x174: {  	[spmem:s5] =	stream.indirect.scatter.add.bf16 [tilespmem:s30], [sflag:$0x3], $0x20, s28, s29, $0xb8;
	[tilespmem:$0xF140] =	vst v63  }
0x175: {  	_ = 	snop  }
0x176: {  	[spmem:s6] =	stream.indirect.scatter.add.bf16 [tilespmem:s25], [sflag:$0x6], $0x4, s28, s29, $0xb8;
	[tilespmem:$0xF140] =	vst v63  }
0x177: {  	_ =	swait.ge [sflag:s22], $0x140  }
0x178: {  	[sflag:s22] =	ssyncset.done $0x0  }
0x179: {  	[sflag:s22] =	ssyncadd.s32 $0xFFFFFEC0  }
0x17a: {  	_ =	swait.ge [sflag:s4], $0xA00  }
0x17b: {  	[sflag:s4] =	ssyncset.done $0x0  }
0x17c: {  	[sflag:s4] =	ssyncadd.s32 $0xFFFFF600  }
0x17d: {  	_ =	swait.ge [sflag:s1], $0xA00  }
0x17e: {  	[sflag:s1] =	ssyncset.done $0x0  }
0x17f: {  	s24 =	rddreg [dreg:$0xb];
	[sflag:s1] =	ssyncadd.s32 $0xFFFFF600  }
0x180: {  	[tilespmem:s30], [sflag:$0x1] =	stream.indirect.gather [spmem:s3], $0x20, s24, s29, $0xb8;
	[tilespmem:$0xF140] =	vst v63  }
0x181: {  	_ = 	snop  }
0x182: {  	[spmem:s5] =	stream.indirect.scatter.add.bf16 [tilespmem:s31], [sflag:$0x4], $0x20, s0, s29, $0xb8;
	[tilespmem:$0xF140] =	vst v63  }
0x183: {  	_ = 	snop  }
0x184: {  	[spmem:s6] =	stream.indirect.scatter.add.bf16 [tilespmem:s25], [sflag:$0x6], $0x4, s0, s29, $0xb8;
	[tilespmem:$0xF140] =	vst v63  }
0x185: {  	_ =	swait.ge [sflag:s22], $0x140  }
0x186: {  	[sflag:s22] =	ssyncset.done $0x0  }
0x187: {  	[sflag:s22] =	ssyncadd.s32 $0xFFFFFEC0  }
0x188: {  	_ =	swait.ge [sflag:s20], $0xA00  }
0x189: {  	[sflag:s20] =	ssyncset.done $0x0  }
0x18a: {  	[sflag:s20] =	ssyncadd.s32 $0xFFFFF600  }
0x18b: {  	_ =	swait.ge [sflag:s19], $0xA00  }
0x18c: {  	[sflag:s19] =	ssyncset.done $0x0  }
0x18d: {  	s18 =	rddreg [dreg:$0xc];
	[sflag:s19] =	ssyncadd.s32 $0xFFFFF600  }
0x18e: {  	[tilespmem:s31], [sflag:$0x2] =	stream.indirect.gather [spmem:s3], $0x20, s18, s29, $0xb8;
	[tilespmem:$0xF140] =	vst v63  }
0x18f: {  	_ = 	snop  }
0x190: {  	[spmem:s5] =	stream.indirect.scatter.add.bf16 [tilespmem:s30], [sflag:$0x3], $0x20, s2, s29, $0xb8;
	[tilespmem:$0xF140] =	vst v63  }
0x191: {  	_ = 	snop  }
0x192: {  	[spmem:s6] =	stream.indirect.scatter.add.bf16 [tilespmem:s25], [sflag:$0x6], $0x4, s2, s29, $0xb8;
	[tilespmem:$0xF140] =	vst v63  }
0x193: {  	_ =	swait.ge [sflag:s22], $0x140  }
0x194: {  	[sflag:s22] =	ssyncset.done $0x0  }
0x195: {  	[sflag:s22] =	ssyncadd.s32 $0xFFFFFEC0  }
0x196: {  	_ =	swait.ge [sflag:s4], $0xA00  }
0x197: {  	[sflag:s4] =	ssyncset.done $0x0  }
0x198: {  	[sflag:s4] =	ssyncadd.s32 $0xFFFFF600  }
0x199: {  	_ =	swait.ge [sflag:s1], $0xA00  }
0x19a: {  	[sflag:s1] =	ssyncset.done $0x0  }
0x19b: {  	s23 =	rddreg [dreg:$0xd];
	[sflag:s1] =	ssyncadd.s32 $0xFFFFF600  }
0x19c: {  	[tilespmem:s30], [sflag:$0x1] =	stream.indirect.gather [spmem:s3], $0x20, s23, s29, $0xb8;
	[tilespmem:$0xF140] =	vst v63  }
0x19d: {  	_ = 	snop  }
0x19e: {  	[spmem:s5] =	stream.indirect.scatter.add.bf16 [tilespmem:s31], [sflag:$0x4], $0x20, s8, s29, $0xb8;
	[tilespmem:$0xF140] =	vst v63  }
0x19f: {  	_ = 	snop  }
0x1a0: {  	[spmem:s6] =	stream.indirect.scatter.add.bf16 [tilespmem:s25], [sflag:$0x6], $0x4, s8, s29, $0xb8;
	[tilespmem:$0xF140] =	vst v63  }
0x1a1: {  	_ =	swait.ge [sflag:s22], $0x140  }
0x1a2: {  	[sflag:s22] =	ssyncset.done $0x0  }
0x1a3: {  	[sflag:s22] =	ssyncadd.s32 $0xFFFFFEC0  }
0x1a4: {  	_ =	swait.ge [sflag:s20], $0xA00  }
0x1a5: {  	[sflag:s20] =	ssyncset.done $0x0  }
0x1a6: {  	[sflag:s20] =	ssyncadd.s32 $0xFFFFF600  }
0x1a7: {  	_ =	swait.ge [sflag:s19], $0xA00  }
0x1a8: {  	[sflag:s19] =	ssyncset.done $0x0  }
0x1a9: {  	s24 =	rddreg [dreg:$0xe];
	[sflag:s19] =	ssyncadd.s32 $0xFFFFF600  }
0x1aa: {  	[tilespmem:s31], [sflag:$0x2] =	stream.indirect.gather [spmem:s3], $0x20, s24, s29, $0xb8;
	[tilespmem:$0xF140] =	vst v63  }
0x1ab: {  	_ = 	snop  }
0x1ac: {  	[spmem:s5] =	stream.indirect.scatter.add.bf16 [tilespmem:s30], [sflag:$0x3], $0x20, s9, s29, $0xb8;
	[tilespmem:$0xF140] =	vst v63  }
0x1ad: {  	_ = 	snop  }
0x1ae: {  	[spmem:s6] =	stream.indirect.scatter.add.bf16 [tilespmem:s25], [sflag:$0x6], $0x4, s9, s29, $0xb8;
	[tilespmem:$0xF140] =	vst v63  }
0x1af: {  	_ =	swait.ge [sflag:s22], $0x140  }
0x1b0: {  	[sflag:s22] =	ssyncset.done $0x0  }
0x1b1: {  	[sflag:s22] =	ssyncadd.s32 $0xFFFFFEC0  }
0x1b2: {  	_ =	swait.ge [sflag:s4], $0xA00  }
0x1b3: {  	[sflag:s4] =	ssyncset.done $0x0  }
0x1b4: {  	[sflag:s4] =	ssyncadd.s32 $0xFFFFF600  }
0x1b5: {  	_ =	swait.ge [sflag:s1], $0xA00  }
0x1b6: {  	[sflag:s1] =	ssyncset.done $0x0  }
0x1b7: {  	s18 =	rddreg [dreg:$0xf];
	[sflag:s1] =	ssyncadd.s32 $0xFFFFF600  }
0x1b8: {  	[tilespmem:s30], [sflag:$0x1] =	stream.indirect.gather [spmem:s3], $0x20, s18, s29, $0xb8;
	[tilespmem:$0xF140] =	vst v63  }
0x1b9: {  	_ = 	snop  }
0x1ba: {  	[spmem:s5] =	stream.indirect.scatter.add.bf16 [tilespmem:s31], [sflag:$0x4], $0x20, s11, s29, $0xb8;
	[tilespmem:$0xF140] =	vst v63  }
0x1bb: {  	_ = 	snop  }
0x1bc: {  	[spmem:s6] =	stream.indirect.scatter.add.bf16 [tilespmem:s25], [sflag:$0x6], $0x4, s11, s29, $0xb8;
	[tilespmem:$0xF140] =	vst v63  }
0x1bd: {  	_ =	swait.ge [sflag:s22], $0x140  }
0x1be: {  	[sflag:s22] =	ssyncset.done $0x0  }
0x1bf: {  	[sflag:s22] =	ssyncadd.s32 $0xFFFFFEC0  }
0x1c0: {  	_ =	swait.ge [sflag:s20], $0xA00  }
0x1c1: {  	[sflag:s20] =	ssyncset.done $0x0  }
0x1c2: {  	[sflag:s20] =	ssyncadd.s32 $0xFFFFF600  }
0x1c3: {  	_ =	swait.ge [sflag:s19], $0xA00  }
0x1c4: {  	[sflag:s19] =	ssyncset.done $0x0  }
0x1c5: {  	[sflag:s19] =	ssyncadd.s32 $0xFFFFF600  }
0x1c6: {  	[tilespmem:s31], [sflag:$0x2] =	stream.indirect.gather [spmem:s3], $0x20, s12, s29, $0xb8;
	[tilespmem:$0xF140] =	vst v63  }
0x1c7: {  	_ = 	snop  }
0x1c8: {  	[spmem:s5] =	stream.indirect.scatter.add.bf16 [tilespmem:s30], [sflag:$0x3], $0x20, s13, s29, $0xb8;
	[tilespmem:$0xF140] =	vst v63  }
0x1c9: {  	_ = 	snop  }
0x1ca: {  	[spmem:s6] =	stream.indirect.scatter.add.bf16 [tilespmem:s25], [sflag:$0x6], $0x4, s13, s29, $0xb8;
	[tilespmem:$0xF140] =	vst v63  }
0x1cb: {  	_ =	swait.ge [sflag:s22], $0x140  }
0x1cc: {  	[sflag:s22] =	ssyncset.done $0x0  }
0x1cd: {  	[sflag:s22] =	ssyncadd.s32 $0xFFFFFEC0  }
0x1ce: {  	_ =	swait.ge [sflag:s4], $0xA00  }
0x1cf: {  	[sflag:s4] =	ssyncset.done $0x0  }
0x1d0: {  	[sflag:s4] =	ssyncadd.s32 $0xFFFFF600  }
0x1d1: {  	_ =	swait.ge [sflag:s1], $0xA00  }
0x1d2: {  	[sflag:s1] =	ssyncset.done $0x0  }
0x1d3: {  	[sflag:s1] =	ssyncadd.s32 $0xFFFFF600  }
0x1d4: {  	[tilespmem:s30], [sflag:$0x1] =	stream.indirect.gather [spmem:s3], $0x20, s14, s29, $0xb8;
	[tilespmem:$0xF140] =	vst v63  }
0x1d5: {  	_ = 	snop  }
0x1d6: {  	[spmem:s5] =	stream.indirect.scatter.add.bf16 [tilespmem:s31], [sflag:$0x4], $0x20, s15, s29, $0xb8;
	[tilespmem:$0xF140] =	vst v63  }
0x1d7: {  	_ = 	snop  }
0x1d8: {  	[spmem:s6] =	stream.indirect.scatter.add.bf16 [tilespmem:s25], [sflag:$0x6], $0x4, s15, s29, $0xb8;
	[tilespmem:$0xF140] =	vst v63  }
0x1d9: {  	_ =	swait.ge [sflag:s22], $0x140  }
0x1da: {  	[sflag:s22] =	ssyncset.done $0x0  }
0x1db: {  	[sflag:s22] =	ssyncadd.s32 $0xFFFFFEC0  }
0x1dc: {  	_ =	swait.ge [sflag:s20], $0xA00  }
0x1dd: {  	[sflag:s20] =	ssyncset.done $0x0  }
0x1de: {  	[sflag:s20] =	ssyncadd.s32 $0xFFFFF600  }
0x1df: {  	_ =	swait.ge [sflag:s19], $0xA00  }
0x1e0: {  	[sflag:s19] =	ssyncset.done $0x0  }
0x1e1: {  	[sflag:s19] =	ssyncadd.s32 $0xFFFFF600  }
0x1e2: {  	[tilespmem:s31], [sflag:$0x2] =	stream.indirect.gather [spmem:s3], $0x20, s16, s29, $0xb8;
	[tilespmem:$0xF140] =	vst v63  }
0x1e3: {  	_ = 	snop  }
0x1e4: {  	[spmem:s5] =	stream.indirect.scatter.add.bf16 [tilespmem:s30], [sflag:$0x3], $0x20, s17, s29, $0xb8;
	[tilespmem:$0xF140] =	vst v63  }
0x1e5: {  	_ = 	snop  }
0x1e6: {  	[spmem:s6] =	stream.indirect.scatter.add.bf16 [tilespmem:s25], [sflag:$0x6], $0x4, s17, s29, $0xb8;
	[tilespmem:$0xF140] =	vst v63  }
0x1e7: {  	_ =	swait.ge [sflag:s22], $0x140  }
0x1e8: {  	[sflag:s22] =	ssyncset.done $0x0  }
0x1e9: {  	[sflag:s22] =	ssyncadd.s32 $0xFFFFFEC0  }
0x1ea: {  	_ =	swait.ge [sflag:s4], $0xA00  }
0x1eb: {  	[sflag:s4] =	ssyncset.done $0x0  }
0x1ec: {  	[sflag:s4] =	ssyncadd.s32 $0xFFFFF600  }
0x1ed: {  	_ =	swait.ge [sflag:s1], $0xA00  }
0x1ee: {  	[sflag:s1] =	ssyncset.done $0x0  }
0x1ef: {  	[sflag:s1] =	ssyncadd.s32 $0xFFFFF600  }
0x1f0: {  	[spmem:s5] =	stream.indirect.scatter.add.bf16 [tilespmem:s31], [sflag:$0x4], $0x20, s21, s29, $0xb8;
	[tilespmem:$0xF140] =	vst v63  }
0x1f1: {  	_ = 	snop  }
0x1f2: {  	[spmem:s6] =	stream.indirect.scatter.add.bf16 [tilespmem:s25], [sflag:$0x6], $0x4, s21, s29, $0xb8;
	[tilespmem:$0xF140] =	vst v63  }
0x1f3: {  	_ =	swait.ge [sflag:s22], $0x140  }
0x1f4: {  	[sflag:s22] =	ssyncset.done $0x0  }
0x1f5: {  	[sflag:s22] =	ssyncadd.s32 $0xFFFFFEC0  }
0x1f6: {  	_ =	swait.ge [sflag:s20], $0xA00  }
0x1f7: {  	[sflag:s20] =	ssyncset.done $0x0  }
0x1f8: {  	[sflag:s20] =	ssyncadd.s32 $0xFFFFF600  }
0x1f9: {  	[bflag:$0x0] =	sbarrier.arrive $0xFFFF  }
0x1fa: {  	s18 =	simm.s32 $0xEEC0;
	s23 =	rddreg [dreg:$0x13]  }
0x1fb: {  	[tilespmem:s18], [sflag:$0x6] =	stream.linear.gather [hbm4b:s23+s7], $0x280, $0x38;
	[tilespmem:$0xF140] =	vst v63  }
0x1fc: {  	_ =	swait.ge [sflag:s22], $0x280  }
0x1fd: {  	[sflag:s22] =	ssyncset.done $0x0  }
0x1fe: {  	s24 =	simm.s32 $0xA0;
	s23 =	simm.s32 $0xC6C0;
	[sflag:s22] =	ssyncadd.s32 $0xFFFFFD80  }
0x1ff: {  	[tilespmem:s23], [sflag:$0x5] =	stream.indirect.gather [spmem:s5], $0x20, s18, s24, $0xb8;
	[tilespmem:$0xF140] =	vst v63  }
0x200: {  	s18 =	simm.s32 $0x5  }
0x201: {  	_ =	swait.ge [sflag:s18], $0x1400  }
0x202: {  	s23 =	simm.s32 $0x40;
	s24 =	simm.s32 $0x20;
	[sflag:s18] =	ssyncset.done $0x0  }
0x203: {  	s10 =	rddreg [dreg:$0x16];
	[sflag:s18] =	ssyncadd.s32 $0xFFFFEC00;
	s18 =	simm.s32 $0xC6C0  }
0x204: {  	[hbm4b:s10+s24] =	stream.strided.scatter [tilespmem:s18], [sflag:$0x6], $0x1400, s23, s24, $0x38;
	[tilespmem:$0xF140] =	vst v63  }
0x205: {  	_ =	swait.ge [sflag:s22], $0x1400  }
0x206: {  	s23 =	simm.s32 $0xEF60;
	[sflag:s22] =	ssyncset.done $0x0  }
0x207: {  	s18 =	simm.s32 $0xA0;
	s24 =	simm.s32 $0xC6C0;
	[sflag:s22] =	ssyncadd.s32 $0xFFFFEC00  }
0x208: {  	[tilespmem:s24], [sflag:$0x5] =	stream.indirect.gather [spmem:s5], $0x20, s23, s18, $0xb8;
	[tilespmem:$0xF140] =	vst v63  }
0x209: {  	s18 =	simm.s32 $0x5  }
0x20a: {  	_ =	swait.ge [sflag:s18], $0x1400  }
0x20b: {  	s23 =	simm.s32 $0x40;
	s24 =	simm.s32 $0x20;
	[sflag:s18] =	ssyncset.done $0x0  }
0x20c: {  	s10 =	rddreg [dreg:$0x17];
	[sflag:s18] =	ssyncadd.s32 $0xFFFFEC00;
	s18 =	simm.s32 $0xC6C0  }
0x20d: {  	[hbm4b:s10+s24] =	stream.strided.scatter [tilespmem:s18], [sflag:$0x6], $0x1400, s23, s24, $0x38;
	[tilespmem:$0xF140] =	vst v63  }
0x20e: {  	_ =	swait.ge [sflag:s22], $0x1400  }
0x20f: {  	s23 =	simm.s32 $0xF000;
	[sflag:s22] =	ssyncset.done $0x0  }
0x210: {  	s24 =	simm.s32 $0xA0;
	s18 =	simm.s32 $0xC6C0;
	[sflag:s22] =	ssyncadd.s32 $0xFFFFEC00  }
0x211: {  	[tilespmem:s18], [sflag:$0x5] =	stream.indirect.gather [spmem:s5], $0x20, s23, s24, $0xb8;
	[tilespmem:$0xF140] =	vst v63  }
0x212: {  	s18 =	simm.s32 $0x5  }
0x213: {  	_ =	swait.ge [sflag:s18], $0x1400  }
0x214: {  	s23 =	simm.s32 $0x40;
	s24 =	simm.s32 $0x20;
	[sflag:s18] =	ssyncset.done $0x0  }
0x215: {  	s10 =	rddreg [dreg:$0x18];
	[sflag:s18] =	ssyncadd.s32 $0xFFFFEC00;
	s18 =	simm.s32 $0xC6C0  }
0x216: {  	[hbm4b:s10+s24] =	stream.strided.scatter [tilespmem:s18], [sflag:$0x6], $0x1400, s23, s24, $0x38;
	[tilespmem:$0xF140] =	vst v63  }
0x217: {  	_ =	swait.ge [sflag:s22], $0x1400  }
0x218: {  	s23 =	simm.s32 $0xF0A0;
	[sflag:s22] =	ssyncset.done $0x0  }
0x219: {  	s24 =	simm.s32 $0xA0;
	s18 =	simm.s32 $0xC6C0;
	[sflag:s22] =	ssyncadd.s32 $0xFFFFEC00  }
0x21a: {  	[tilespmem:s18], [sflag:$0x5] =	stream.indirect.gather [spmem:s5], $0x20, s23, s24, $0xb8;
	[tilespmem:$0xF140] =	vst v63  }
0x21b: {  	s24 =	simm.s32 $0x5  }
0x21c: {  	_ =	swait.ge [sflag:s24], $0x1400  }
0x21d: {  	s23 =	simm.s32 $0xC6C0;
	s18 =	simm.s32 $0x40;
	[sflag:s24] =	ssyncset.done $0x0  }
0x21e: {  	s10 =	rddreg [dreg:$0x19];
	[sflag:s24] =	ssyncadd.s32 $0xFFFFEC00;
	s24 =	simm.s32 $0x20  }
0x21f: {  	[hbm4b:s10+s24] =	stream.strided.scatter [tilespmem:s23], [sflag:$0x6], $0x1400, s18, s24, $0x38;
	[tilespmem:$0xF140] =	vst v63  }
0x220: {  	_ =	swait.ge [sflag:s22], $0x1400  }
0x221: {  	s10 =	simm.s32 @!p0 $0x280;
	[sflag:s22] =	ssyncset.done $0x0  }
0x222: {  	s18 =	simm.s32 @!p0 $0xEEC0;
	s23 =	simm.s32 @!p0 $0xDAC0;
	[sflag:s22] =	ssyncadd.s32 $0xFFFFEC00  }
0x223: {  	[tilespmem:s23], [sflag:$0x5] =	stream.indirect.gather @!p0 [spmem:s6], $0x4, s18, s10, $0xb8;
	[tilespmem:$0xF140] =	vst v63  }
0x224: {  	s10 =	simm.s32 @!p0 $0x5  }
0x225: {  	_ =	swait.ge @!p0 [sflag:s10], $0xA00  }
0x226: {  	[sflag:s10] =	ssyncset.done @!p0 $0x0  }
0x227: {  	s18 =	rddreg [dreg:$0x14];
	[sflag:s10] =	ssyncadd.s32 @!p0 $0xFFFFF600;
	s10 =	simm.s32 @!p0 $0x0  }
0x228: {  	[hbm4b:s18+s10] =	stream.linear.scatter @!p0 [tilespmem:s23], [sflag:$0x6], $0x1400, $0x38;
	[tilespmem:$0xF140] =	vst v63  }
0x229: {  	s10 =	simm.s32 @!p0 $0x6  }
0x22a: {  	_ =	swait.ge @!p0 [sflag:s10], $0x1400  }
0x22b: {  	s18 =	rddreg [dreg:$0x1d]  }
0x22c: {  	s24 =	rddreg [dreg:$0x15];
	s23 =	sadd.s32 $0x1, s18  }
0x22d: {  	p1 =	sne.s32 s23, s24  }
.Ltmp1:
0x22e: {  	_ = 	snop;
	(pc) =	sbr.rel @p1 .LBB2_1-.Ltmp1, $3  }
0x22f: {  	_ =	sdelay $0x1  }
0x230: {  	[sflag:s10] =	ssyncset.done @!p0 $0x0  }
0x231: {  	[sflag:s10] =	ssyncadd.s32 @!p0 $0xFFFFEC00  }
0x232: {  	_ =	sfence.sel $0x180000  }
0x233: {  	[bflag:$0x0] =	sbarrier.arrive $0xFFFF  }
0x234: {  	_ =	strace $0x90000047  }
0x235: {  	s0 =	stileid.u32;
	[bflag:$0x2] =	sbarrier.arrive $0xFFFF  }
0x236: {  	p0 =	sne.s32 s0, $0x0;
	s0 =	rddreg [dreg:$0x7]  }
0x237: {  	s0 =	sadd.s32 @!p0 $0x100000, s0  }
0x238: {  	[sflag:s0] =	ssyncadd.tile.s32 @!p0 $0x1;
	_ =	shalt  }
.Lfunc_end2:
_tile_overlayer_lowered:
.L_overlay_start_2:
0x239: {  	(tag) =	ssettag $0x2  }
0x23a: {  	s0 =	rddreg [dreg:$0x0];
	s2 =	stileid.u32  }
0x23b: {  	s1 =	rddreg [dreg:$0x1];
	p0 =	sne.s32 s2, $0x0  }
0x23c: {  	s3 =	rddreg [dreg:$0x2];
	[bflag:$0x3] =	sbarrier.arrive $0xFFFF;
	s2 =	simm.s32 @!p0 $0x1C06  }
0x23d: {  	[timem:s3], [sflag:s2] =	dma.local @!p0 [hbm:s0], s1  }
0x23e: {  	s0 =	simm.s32 @!p0 $0x6  }
0x23f: {  	_ =	swait.ge @!p0 [sflag:s0], s1  }
0x240: {  	s1 =	ssub.s32 @!p0 $0x0, s1;
	[sflag:s0] =	ssyncset.done @!p0 $0x0  }
0x241: {  	[sflag:s0] =	ssyncadd.s32 @!p0 s1  }
0x242: {  	[bflag:$0x3] =	sbarrier.arrive $0xFFFF  }
0x243: {  	_ =	shalt  }

</sc_bundles>
